<compile_context>
chip_gen: v7x
topology: tpu7x:2x2x1
jax: 0.10.2.dev20260603
libtpu: 0.0.44.dev20260713+nightly
codegen_flags: <defaults>
</compile_context>

<pallas_src>
import jax
import jax.numpy as jnp
from jax import lax
from jax.experimental import pallas as pl
from jax.experimental.pallas import tpu as pltpu
from jax.experimental.pallas import tpu_sc as plsc

N_HEADS = 16
SEQ = 2048
TAB = 255
GPAD = 2 * SEQ
NC = 2
NS = 16
BI = 256


def _sc_gather_body(table_hbm, g_hbm, table_v, row_v, sem):
    cid = lax.axis_index("c")
    sid = lax.axis_index("s")
    wid = sid * NC + cid
    head = wid >> 1
    half = wid & 1

    pltpu.sync_copy(table_hbm, table_v)
    lane = lax.iota(jnp.int32, 16)
    p0 = half * (GPAD // 2)

    @pl.loop(0, GPAD // 2 // 16)
    def _build(c):
        p = p0 + c * 16 + lane
        idx = jnp.clip(p - (SEQ - 127), 0, TAB - 1) * N_HEADS + head
        row_v[pl.ds(c * 16, 16)] = plsc.load_gather(table_v, [idx])

    pltpu.sync_copy(row_v, g_hbm.at[pl.ds(head * GPAD + p0, GPAD // 2)])


def _sc_gather(table_flat):
    mesh = plsc.VectorSubcoreMesh(core_axis_name="c", subcore_axis_name="s")
    fn = pl.kernel(
        _sc_gather_body,
        out_type=jax.ShapeDtypeStruct((N_HEADS * GPAD,), jnp.float32),
        mesh=mesh,
        scratch_types=[
            pltpu.VMEM((TAB * N_HEADS,), jnp.float32),
            pltpu.VMEM((GPAD // 2,), jnp.float32),
            pltpu.SemaphoreType.DMA,
        ],
        compiler_params=pltpu.CompilerParams(needs_layout_passes=False),
    )
    return fn(table_flat)


def _tc_expand_body(g_ref, out_ref, r_ref, sem_ref):
    h = pl.program_id(0)
    par = lax.rem(h, 2)

    def copies(hh, buf):
        out = []
        for bi in range(SEQ // BI):
            src = r_ref.at[buf, :, pl.ds(SEQ - BI * bi, SEQ)]
            dst = out_ref.at[hh, pl.ds(bi * BI, BI), :]
            out.append(pltpu.make_async_copy(src, dst, sem_ref.at[buf]))
        return out

    @pl.when(h >= 2)
    def _drain_prev():
        for c in copies(h - 2, par):
            c.wait()

    a = g_ref[0]
    for s in range(BI.bit_length() - 1):
        a = jnp.concatenate([a, pltpu.roll(a, 1 << s, axis=1)], axis=0)
    r_ref[par] = a

    for c in copies(h, par):
        c.start()

    @pl.when(h == N_HEADS - 1)
    def _drain_tail():
        for c in copies(h - 1, 1 - par):
            c.wait()
        for c in copies(h, par):
            c.wait()


def _tc_expand(g):
    return pl.pallas_call(
        _tc_expand_body,
        grid=(N_HEADS,),
        in_specs=[pl.BlockSpec((1, 1, GPAD), lambda h: (h, 0, 0))],
        out_specs=pl.BlockSpec(memory_space=pl.ANY),
        out_shape=jax.ShapeDtypeStruct((N_HEADS, SEQ, SEQ), jnp.float32),
        scratch_shapes=[
            pltpu.VMEM((2, BI, GPAD), jnp.float32),
            pltpu.SemaphoreType.DMA((2,)),
        ],
    )(g)


@jax.jit
def _relative_pos_bias(bias_table):
    g = _sc_gather(bias_table.reshape(-1))
    out = _tc_expand(g.reshape(N_HEADS, 1, GPAD))
    return out.reshape(1, N_HEADS, SEQ, SEQ)


def kernel(seq_len, bias_table):
    del seq_len
    return _relative_pos_bias(bias_table)

# --- scband reference (transcript-rebuilt; emitter-appended) ---
"""Pipeline reference for scband-relative-pos-bias-11330123727163 (READ-ONLY COPY).

The authoritative reference and input builder live on the scoring server;
editing this copy changes nothing except your own understanding.
"""

import jax, jax.numpy as jnp
import numpy as np

NUM_HEADS = 16
MAX_DISTANCE = 128
SEQ_LEN = 2048


def setup_inputs(seed: int = 0) -> dict:
    key = jax.random.key(seed)
    # Embedding table: nn.Embedding(2*max_distance-1, num_heads), default N(0,1) init
    bias_table = jax.random.normal(key, (2 * MAX_DISTANCE - 1, NUM_HEADS), dtype=jnp.float32)
    return {"seq_len": SEQ_LEN, "bias_table": bias_table}


def reference(seq_len, bias_table):
    positions = jnp.arange(SEQ_LEN, dtype=jnp.int32) + (seq_len - seq_len)
    context_position = positions[:, None]
    memory_position = positions[None, :]
    relative_position = memory_position - context_position
    relative_position = jnp.clip(relative_position, -(MAX_DISTANCE - 1), MAX_DISTANCE - 1)
    relative_position = relative_position + MAX_DISTANCE - 1  # [S, S] in [0, 2*max_distance-2]
    values = jnp.take(bias_table, relative_position, axis=0)  # [S, S, H] gather (embedding lookup)
    out = jnp.transpose(values, (2, 0, 1))[None, ...]  # [1, H, S, S]
    return out

if __name__ == "__main__":
    import jax
    _d = setup_inputs()
    print(jax.jit(kernel)(*tuple(_d.values())))

</pallas_src>

<mosaic_0001>
#map = affine_map<(d0, d1) -> (0)>
module attributes {stable_mosaic.version = 14 : i64} {
  func.func @_sc_gather_body(%arg0: i32, %arg1: i32, %arg2: memref<4080xf32, #tpu.memory_space<hbm>>, %arg3: memref<65536xf32, #tpu.memory_space<hbm>>, %arg4: memref<4080xf32, #tpu.memory_space<vmem>>, %arg5: memref<2048xf32, #tpu.memory_space<vmem>>, %arg6: memref<!tpu.dma_semaphore, #tpu.memory_space<semaphore_mem>>) attributes {dimension_semantics = [#tpu.dimension_semantics<core_parallel>, #tpu.dimension_semantics<subcore_parallel>], iteration_bounds = array<i64: 2, 16>, scalar_prefetch = 0 : i64, scratch_operands = 3 : i64, tpu.core_type = #tpu.core_type<sc_vector_subcore>, window_params = [{transform_indices = #map}, {transform_indices = #map}]} {
    %mul3A = arith.constant 2 : i32
    %mul3A_0 = arith.muli %arg1, %mul3A : i32
    %add3A = arith.addi %mul3A_0, %arg0 : i32
    %shift_right_arithmetic3A = arith.constant 1 : i32
    %shift_right_arithmetic3A_1 = arith.shrsi %add3A, %shift_right_arithmetic3A : i32
    %and3A = arith.constant 1 : i32
    %and3A_2 = arith.andi %add3A, %and3A : i32
    "tpu.region"() ({
      %run_scoped3A = tpu.sem_alloc : memref<!tpu.dma_semaphore, #tpu.memory_space<semaphore_mem>>
      tpu.enqueue_dma source(%arg2 : memref<4080xf32, #tpu.memory_space<hbm>>) target(%arg4 : memref<4080xf32, #tpu.memory_space<vmem>>) target_semaphore(%run_scoped3A : memref<!tpu.dma_semaphore, #tpu.memory_space<semaphore_mem>>)
      tpu.wait_dma2 semaphore(%run_scoped3A : memref<!tpu.dma_semaphore, #tpu.memory_space<semaphore_mem>>) src(%arg2 : memref<4080xf32, #tpu.memory_space<hbm>>) dst(%arg4 : memref<4080xf32, #tpu.memory_space<vmem>>)
      tpu.yield
    }) : () -> ()
    %iota3A = tpu.iota {dimensions = array<i32: 0>} : vector<16xi32>
    %mul3A_3 = arith.constant 2048 : i32
    %mul3A_4 = arith.muli %and3A_2, %mul3A_3 : i32
    %scan3A = arith.constant 0 : i32
    %scan3A_5 = arith.constant 128 : i32
    %scan3A_6 = arith.addi %scan3A, %scan3A_5 : i32
    %scan3A_7 = arith.constant 1 : i32
    scf.for %scan3A_12 = %scan3A to %scan3A_6 step %scan3A_7  : i32 {
      %mul3A_13 = arith.constant 1 : i32
      %mul3A_14 = arith.muli %scan3A_12, %mul3A_13 : i32
      %add3A_15 = arith.constant 0 : i32
      %add3A_16 = arith.addi %add3A_15, %mul3A_14 : i32
      %mul3A_17 = arith.constant 16 : i32
      %mul3A_18 = arith.muli %add3A_16, %mul3A_17 : i32
      %add3A_19 = arith.addi %mul3A_4, %mul3A_18 : i32
      %add3A_20 = vector.broadcast %add3A_19 : i32 to vector<16xi32>
      %add3A_21 = arith.addi %add3A_20, %iota3A : vector<16xi32>
      %sub3A = arith.constant 1921 : i32
      %sub3A_22 = vector.broadcast %sub3A : i32 to vector<16xi32>
      %sub3A_23 = arith.subi %add3A_21, %sub3A_22 : vector<16xi32>
      %jit3A = arith.constant 0 : i32
      %jit3A_24 = arith.constant 254 : i32
      %max3A = vector.broadcast %jit3A : i32 to vector<16xi32>
      %max3A_25 = arith.maxsi %max3A, %sub3A_23 : vector<16xi32>
      %min3A = vector.broadcast %jit3A_24 : i32 to vector<16xi32>
      %min3A_26 = arith.minsi %min3A, %max3A_25 : vector<16xi32>
      %mul3A_27 = arith.constant 16 : i32
      %mul3A_28 = vector.broadcast %mul3A_27 : i32 to vector<16xi32>
      %mul3A_29 = arith.muli %min3A_26, %mul3A_28 : vector<16xi32>
      %add3A_30 = vector.broadcast %shift_right_arithmetic3A_1 : i32 to vector<16xi32>
      %add3A_31 = arith.addi %mul3A_29, %add3A_30 : vector<16xi32>
      %gather3A = tpu.vector_load_idx %arg4[%add3A_31] : memref<4080xf32, #tpu.memory_space<vmem>>[vector<16xi32>], vector<16xf32>,
      %mul3A_32 = arith.constant 16 : i32
      %mul3A_33 = arith.muli %add3A_16, %mul3A_32 : i32
      %swap3A = arith.index_cast %mul3A_33 : i32 to index
      %swap3A_34 = tpu.vector_load %arg5[%swap3A] {strides = array<i32>} : memref<2048xf32, #tpu.memory_space<vmem>>, vector<16xf32>,
      tpu.vector_store %arg5[%swap3A], %gather3A {strides = array<i32>} : memref<2048xf32, #tpu.memory_space<vmem>>, vector<16xf32>,
    }
    %scan3A_8 = arith.constant 128 : i32
    %mul3A_9 = arith.constant 4096 : i32
    %mul3A_10 = arith.muli %shift_right_arithmetic3A_1, %mul3A_9 : i32
    %add3A_11 = arith.addi %mul3A_10, %mul3A_4 : i32
    "tpu.region"() ({
      %run_scoped3A = tpu.sem_alloc : memref<!tpu.dma_semaphore, #tpu.memory_space<semaphore_mem>>
      %dma_start3A = tpu.memref_slice %arg3[%add3A_11] : memref<65536xf32, #tpu.memory_space<hbm>> -> memref<2048xf32, #tpu.memory_space<hbm>>
      %dma_start3A_12 = tpu.memref_slice %arg3[%add3A_11] : memref<65536xf32, #tpu.memory_space<hbm>> -> memref<2048xf32, #tpu.memory_space<hbm>>
      tpu.enqueue_dma source(%arg5 : memref<2048xf32, #tpu.memory_space<vmem>>) target(%dma_start3A_12 : memref<2048xf32, #tpu.memory_space<hbm>>) target_semaphore(%run_scoped3A : memref<!tpu.dma_semaphore, #tpu.memory_space<semaphore_mem>>)
      %dma_wait3A = tpu.memref_slice %arg3[%add3A_11] : memref<65536xf32, #tpu.memory_space<hbm>> -> memref<2048xf32, #tpu.memory_space<hbm>>
      %dma_wait3A_13 = tpu.memref_slice %arg3[%add3A_11] : memref<65536xf32, #tpu.memory_space<hbm>> -> memref<2048xf32, #tpu.memory_space<hbm>>
      tpu.wait_dma2 semaphore(%run_scoped3A : memref<!tpu.dma_semaphore, #tpu.memory_space<semaphore_mem>>) src(%arg5 : memref<2048xf32, #tpu.memory_space<vmem>>) dst(%dma_wait3A_13 : memref<2048xf32, #tpu.memory_space<hbm>>)
      tpu.yield
    }) : () -> ()
    return
  }
}

module attributes {stable_mosaic.version = 14 : i64} {
  func.func @_tc_expand_body(%arg0: i32, %arg1: memref<1x1x4096xf32, #tpu.memory_space<vmem>>, %arg2: memref<16x2048x2048xf32, #tpu.memory_space<any>>, %arg3: memref<2x256x4096xf32, #tpu.memory_space<vmem>>, %arg4: memref<2x!tpu.dma_semaphore, #tpu.memory_space<semaphore_mem>>) attributes {dimension_semantics = [#tpu.dimension_semantics<arbitrary>], iteration_bounds = array<i64: 16>, scalar_prefetch = 0 : i64, scratch_operands = 2 : i64, tpu.core_type = #tpu.core_type<tc>, window_params = [{transform_indices = @transform_0, window_bounds = array<i64: 1, 1, 4096>}, {}]} {
    %rem3A = arith.constant 2 : i32
    %rem3A_0 = arith.remsi %arg0, %rem3A : i32
    %ge3A = arith.constant 2 : i32
    %ge3A_1 = arith.cmpi sge, %arg0, %ge3A : i32
    %convert_element_type3A = arith.extui %ge3A_1 : i1 to i32
    %cond3A = arith.constant 0 : i32
    %cond3A_2 = arith.cmpi ne, %convert_element_type3A, %cond3A : i32
    scf.if %cond3A_2 {
      %sub3A = arith.constant 2 : i32
      %sub3A_117 = arith.subi %arg0, %sub3A : i32
      %dma_wait3A = tpu.memref_slice %arg4[%rem3A_0] : memref<2x!tpu.dma_semaphore, #tpu.memory_space<semaphore_mem>> -> memref<1x!tpu.dma_semaphore, #tpu.memory_space<semaphore_mem>>
      %dma_wait3A_118 = tpu.memref_squeeze %dma_wait3A : memref<1x!tpu.dma_semaphore, #tpu.memory_space<semaphore_mem>> -> memref<!tpu.dma_semaphore, #tpu.memory_space<semaphore_mem>>
      %dma_wait3A_119 = arith.constant 0 : i32
      %dma_wait3A_120 = arith.constant 0 : i32
      %dma_wait3A_121 = tpu.memref_slice %arg2[%sub3A_117, %dma_wait3A_119, %dma_wait3A_120] : memref<16x2048x2048xf32, #tpu.memory_space<any>> -> memref<1x256x2048xf32, #tpu.memory_space<any>>
      %dma_wait3A_122 = tpu.memref_squeeze %dma_wait3A_121 : memref<1x256x2048xf32, #tpu.memory_space<any>> -> memref<256x2048xf32, #tpu.memory_space<any>>
      %dma_wait3A_123 = arith.constant 0 : i32
      %dma_wait3A_124 = arith.constant 2048 : i32
      %dma_wait3A_125 = tpu.memref_slice %arg3[%rem3A_0, %dma_wait3A_123, %dma_wait3A_124] : memref<2x256x4096xf32, #tpu.memory_space<vmem>> -> memref<1x256x2048xf32, #tpu.memory_space<vmem>>
      %dma_wait3A_126 = tpu.memref_squeeze %dma_wait3A_125 : memref<1x256x2048xf32, #tpu.memory_space<vmem>> -> memref<256x2048xf32, #tpu.memory_space<vmem>>
      tpu.wait_dma2 semaphore(%dma_wait3A_118 : memref<!tpu.dma_semaphore, #tpu.memory_space<semaphore_mem>>) src(%dma_wait3A_126 : memref<256x2048xf32, #tpu.memory_space<vmem>>) dst(%dma_wait3A_122 : memref<256x2048xf32, #tpu.memory_space<any>>)
      %dma_wait3A_127 = tpu.memref_slice %arg4[%rem3A_0] : memref<2x!tpu.dma_semaphore, #tpu.memory_space<semaphore_mem>> -> memref<1x!tpu.dma_semaphore, #tpu.memory_space<semaphore_mem>>
      %dma_wait3A_128 = tpu.memref_squeeze %dma_wait3A_127 : memref<1x!tpu.dma_semaphore, #tpu.memory_space<semaphore_mem>> -> memref<!tpu.dma_semaphore, #tpu.memory_space<semaphore_mem>>
      %dma_wait3A_129 = arith.constant 256 : i32
      %dma_wait3A_130 = arith.constant 0 : i32
      %dma_wait3A_131 = tpu.memref_slice %arg2[%sub3A_117, %dma_wait3A_129, %dma_wait3A_130] : memref<16x2048x2048xf32, #tpu.memory_space<any>> -> memref<1x256x2048xf32, #tpu.memory_space<any>>
      %dma_wait3A_132 = tpu.memref_squeeze %dma_wait3A_131 : memref<1x256x2048xf32, #tpu.memory_space<any>> -> memref<256x2048xf32, #tpu.memory_space<any>>
      %dma_wait3A_133 = arith.constant 0 : i32
      %dma_wait3A_134 = arith.constant 1792 : i32
      %dma_wait3A_135 = tpu.memref_slice %arg3[%rem3A_0, %dma_wait3A_133, %dma_wait3A_134] : memref<2x256x4096xf32, #tpu.memory_space<vmem>> -> memref<1x256x2048xf32, #tpu.memory_space<vmem>>
      %dma_wait3A_136 = tpu.memref_squeeze %dma_wait3A_135 : memref<1x256x2048xf32, #tpu.memory_space<vmem>> -> memref<256x2048xf32, #tpu.memory_space<vmem>>
      tpu.wait_dma2 semaphore(%dma_wait3A_128 : memref<!tpu.dma_semaphore, #tpu.memory_space<semaphore_mem>>) src(%dma_wait3A_136 : memref<256x2048xf32, #tpu.memory_space<vmem>>) dst(%dma_wait3A_132 : memref<256x2048xf32, #tpu.memory_space<any>>)
      %dma_wait3A_137 = tpu.memref_slice %arg4[%rem3A_0] : memref<2x!tpu.dma_semaphore, #tpu.memory_space<semaphore_mem>> -> memref<1x!tpu.dma_semaphore, #tpu.memory_space<semaphore_mem>>
      %dma_wait3A_138 = tpu.memref_squeeze %dma_wait3A_137 : memref<1x!tpu.dma_semaphore, #tpu.memory_space<semaphore_mem>> -> memref<!tpu.dma_semaphore, #tpu.memory_space<semaphore_mem>>
      %dma_wait3A_139 = arith.constant 512 : i32
      %dma_wait3A_140 = arith.constant 0 : i32
      %dma_wait3A_141 = tpu.memref_slice %arg2[%sub3A_117, %dma_wait3A_139, %dma_wait3A_140] : memref<16x2048x2048xf32, #tpu.memory_space<any>> -> memref<1x256x2048xf32, #tpu.memory_space<any>>
      %dma_wait3A_142 = tpu.memref_squeeze %dma_wait3A_141 : memref<1x256x2048xf32, #tpu.memory_space<any>> -> memref<256x2048xf32, #tpu.memory_space<any>>
      %dma_wait3A_143 = arith.constant 0 : i32
      %dma_wait3A_144 = arith.constant 1536 : i32
      %dma_wait3A_145 = tpu.memref_slice %arg3[%rem3A_0, %dma_wait3A_143, %dma_wait3A_144] : memref<2x256x4096xf32, #tpu.memory_space<vmem>> -> memref<1x256x2048xf32, #tpu.memory_space<vmem>>
      %dma_wait3A_146 = tpu.memref_squeeze %dma_wait3A_145 : memref<1x256x2048xf32, #tpu.memory_space<vmem>> -> memref<256x2048xf32, #tpu.memory_space<vmem>>
      tpu.wait_dma2 semaphore(%dma_wait3A_138 : memref<!tpu.dma_semaphore, #tpu.memory_space<semaphore_mem>>) src(%dma_wait3A_146 : memref<256x2048xf32, #tpu.memory_space<vmem>>) dst(%dma_wait3A_142 : memref<256x2048xf32, #tpu.memory_space<any>>)
      %dma_wait3A_147 = tpu.memref_slice %arg4[%rem3A_0] : memref<2x!tpu.dma_semaphore, #tpu.memory_space<semaphore_mem>> -> memref<1x!tpu.dma_semaphore, #tpu.memory_space<semaphore_mem>>
      %dma_wait3A_148 = tpu.memref_squeeze %dma_wait3A_147 : memref<1x!tpu.dma_semaphore, #tpu.memory_space<semaphore_mem>> -> memref<!tpu.dma_semaphore, #tpu.memory_space<semaphore_mem>>
      %dma_wait3A_149 = arith.constant 768 : i32
      %dma_wait3A_150 = arith.constant 0 : i32
      %dma_wait3A_151 = tpu.memref_slice %arg2[%sub3A_117, %dma_wait3A_149, %dma_wait3A_150] : memref<16x2048x2048xf32, #tpu.memory_space<any>> -> memref<1x256x2048xf32, #tpu.memory_space<any>>
      %dma_wait3A_152 = tpu.memref_squeeze %dma_wait3A_151 : memref<1x256x2048xf32, #tpu.memory_space<any>> -> memref<256x2048xf32, #tpu.memory_space<any>>
      %dma_wait3A_153 = arith.constant 0 : i32
      %dma_wait3A_154 = arith.constant 1280 : i32
      %dma_wait3A_155 = tpu.memref_slice %arg3[%rem3A_0, %dma_wait3A_153, %dma_wait3A_154] : memref<2x256x4096xf32, #tpu.memory_space<vmem>> -> memref<1x256x2048xf32, #tpu.memory_space<vmem>>
      %dma_wait3A_156 = tpu.memref_squeeze %dma_wait3A_155 : memref<1x256x2048xf32, #tpu.memory_space<vmem>> -> memref<256x2048xf32, #tpu.memory_space<vmem>>
      tpu.wait_dma2 semaphore(%dma_wait3A_148 : memref<!tpu.dma_semaphore, #tpu.memory_space<semaphore_mem>>) src(%dma_wait3A_156 : memref<256x2048xf32, #tpu.memory_space<vmem>>) dst(%dma_wait3A_152 : memref<256x2048xf32, #tpu.memory_space<any>>)
      %dma_wait3A_157 = tpu.memref_slice %arg4[%rem3A_0] : memref<2x!tpu.dma_semaphore, #tpu.memory_space<semaphore_mem>> -> memref<1x!tpu.dma_semaphore, #tpu.memory_space<semaphore_mem>>
      %dma_wait3A_158 = tpu.memref_squeeze %dma_wait3A_157 : memref<1x!tpu.dma_semaphore, #tpu.memory_space<semaphore_mem>> -> memref<!tpu.dma_semaphore, #tpu.memory_space<semaphore_mem>>
      %dma_wait3A_159 = arith.constant 1024 : i32
      %dma_wait3A_160 = arith.constant 0 : i32
      %dma_wait3A_161 = tpu.memref_slice %arg2[%sub3A_117, %dma_wait3A_159, %dma_wait3A_160] : memref<16x2048x2048xf32, #tpu.memory_space<any>> -> memref<1x256x2048xf32, #tpu.memory_space<any>>
      %dma_wait3A_162 = tpu.memref_squeeze %dma_wait3A_161 : memref<1x256x2048xf32, #tpu.memory_space<any>> -> memref<256x2048xf32, #tpu.memory_space<any>>
      %dma_wait3A_163 = arith.constant 0 : i32
      %dma_wait3A_164 = arith.constant 1024 : i32
      %dma_wait3A_165 = tpu.memref_slice %arg3[%rem3A_0, %dma_wait3A_163, %dma_wait3A_164] : memref<2x256x4096xf32, #tpu.memory_space<vmem>> -> memref<1x256x2048xf32, #tpu.memory_space<vmem>>
      %dma_wait3A_166 = tpu.memref_squeeze %dma_wait3A_165 : memref<1x256x2048xf32, #tpu.memory_space<vmem>> -> memref<256x2048xf32, #tpu.memory_space<vmem>>
      tpu.wait_dma2 semaphore(%dma_wait3A_158 : memref<!tpu.dma_semaphore, #tpu.memory_space<semaphore_mem>>) src(%dma_wait3A_166 : memref<256x2048xf32, #tpu.memory_space<vmem>>) dst(%dma_wait3A_162 : memref<256x2048xf32, #tpu.memory_space<any>>)
      %dma_wait3A_167 = tpu.memref_slice %arg4[%rem3A_0] : memref<2x!tpu.dma_semaphore, #tpu.memory_space<semaphore_mem>> -> memref<1x!tpu.dma_semaphore, #tpu.memory_space<semaphore_mem>>
      %dma_wait3A_168 = tpu.memref_squeeze %dma_wait3A_167 : memref<1x!tpu.dma_semaphore, #tpu.memory_space<semaphore_mem>> -> memref<!tpu.dma_semaphore, #tpu.memory_space<semaphore_mem>>
      %dma_wait3A_169 = arith.constant 1280 : i32
      %dma_wait3A_170 = arith.constant 0 : i32
      %dma_wait3A_171 = tpu.memref_slice %arg2[%sub3A_117, %dma_wait3A_169, %dma_wait3A_170] : memref<16x2048x2048xf32, #tpu.memory_space<any>> -> memref<1x256x2048xf32, #tpu.memory_space<any>>
      %dma_wait3A_172 = tpu.memref_squeeze %dma_wait3A_171 : memref<1x256x2048xf32, #tpu.memory_space<any>> -> memref<256x2048xf32, #tpu.memory_space<any>>
      %dma_wait3A_173 = arith.constant 0 : i32
      %dma_wait3A_174 = arith.constant 768 : i32
      %dma_wait3A_175 = tpu.memref_slice %arg3[%rem3A_0, %dma_wait3A_173, %dma_wait3A_174] : memref<2x256x4096xf32, #tpu.memory_space<vmem>> -> memref<1x256x2048xf32, #tpu.memory_space<vmem>>
      %dma_wait3A_176 = tpu.memref_squeeze %dma_wait3A_175 : memref<1x256x2048xf32, #tpu.memory_space<vmem>> -> memref<256x2048xf32, #tpu.memory_space<vmem>>
      tpu.wait_dma2 semaphore(%dma_wait3A_168 : memref<!tpu.dma_semaphore, #tpu.memory_space<semaphore_mem>>) src(%dma_wait3A_176 : memref<256x2048xf32, #tpu.memory_space<vmem>>) dst(%dma_wait3A_172 : memref<256x2048xf32, #tpu.memory_space<any>>)
      %dma_wait3A_177 = tpu.memref_slice %arg4[%rem3A_0] : memref<2x!tpu.dma_semaphore, #tpu.memory_space<semaphore_mem>> -> memref<1x!tpu.dma_semaphore, #tpu.memory_space<semaphore_mem>>
      %dma_wait3A_178 = tpu.memref_squeeze %dma_wait3A_177 : memref<1x!tpu.dma_semaphore, #tpu.memory_space<semaphore_mem>> -> memref<!tpu.dma_semaphore, #tpu.memory_space<semaphore_mem>>
      %dma_wait3A_179 = arith.constant 1536 : i32
      %dma_wait3A_180 = arith.constant 0 : i32
      %dma_wait3A_181 = tpu.memref_slice %arg2[%sub3A_117, %dma_wait3A_179, %dma_wait3A_180] : memref<16x2048x2048xf32, #tpu.memory_space<any>> -> memref<1x256x2048xf32, #tpu.memory_space<any>>
      %dma_wait3A_182 = tpu.memref_squeeze %dma_wait3A_181 : memref<1x256x2048xf32, #tpu.memory_space<any>> -> memref<256x2048xf32, #tpu.memory_space<any>>
      %dma_wait3A_183 = arith.constant 0 : i32
      %dma_wait3A_184 = arith.constant 512 : i32
      %dma_wait3A_185 = tpu.memref_slice %arg3[%rem3A_0, %dma_wait3A_183, %dma_wait3A_184] : memref<2x256x4096xf32, #tpu.memory_space<vmem>> -> memref<1x256x2048xf32, #tpu.memory_space<vmem>>
      %dma_wait3A_186 = tpu.memref_squeeze %dma_wait3A_185 : memref<1x256x2048xf32, #tpu.memory_space<vmem>> -> memref<256x2048xf32, #tpu.memory_space<vmem>>
      tpu.wait_dma2 semaphore(%dma_wait3A_178 : memref<!tpu.dma_semaphore, #tpu.memory_space<semaphore_mem>>) src(%dma_wait3A_186 : memref<256x2048xf32, #tpu.memory_space<vmem>>) dst(%dma_wait3A_182 : memref<256x2048xf32, #tpu.memory_space<any>>)
      %dma_wait3A_187 = tpu.memref_slice %arg4[%rem3A_0] : memref<2x!tpu.dma_semaphore, #tpu.memory_space<semaphore_mem>> -> memref<1x!tpu.dma_semaphore, #tpu.memory_space<semaphore_mem>>
      %dma_wait3A_188 = tpu.memref_squeeze %dma_wait3A_187 : memref<1x!tpu.dma_semaphore, #tpu.memory_space<semaphore_mem>> -> memref<!tpu.dma_semaphore, #tpu.memory_space<semaphore_mem>>
      %dma_wait3A_189 = arith.constant 1792 : i32
      %dma_wait3A_190 = arith.constant 0 : i32
      %dma_wait3A_191 = tpu.memref_slice %arg2[%sub3A_117, %dma_wait3A_189, %dma_wait3A_190] : memref<16x2048x2048xf32, #tpu.memory_space<any>> -> memref<1x256x2048xf32, #tpu.memory_space<any>>
      %dma_wait3A_192 = tpu.memref_squeeze %dma_wait3A_191 : memref<1x256x2048xf32, #tpu.memory_space<any>> -> memref<256x2048xf32, #tpu.memory_space<any>>
      %dma_wait3A_193 = arith.constant 0 : i32
      %dma_wait3A_194 = arith.constant 256 : i32
      %dma_wait3A_195 = tpu.memref_slice %arg3[%rem3A_0, %dma_wait3A_193, %dma_wait3A_194] : memref<2x256x4096xf32, #tpu.memory_space<vmem>> -> memref<1x256x2048xf32, #tpu.memory_space<vmem>>
      %dma_wait3A_196 = tpu.memref_squeeze %dma_wait3A_195 : memref<1x256x2048xf32, #tpu.memory_space<vmem>> -> memref<256x2048xf32, #tpu.memory_space<vmem>>
      tpu.wait_dma2 semaphore(%dma_wait3A_188 : memref<!tpu.dma_semaphore, #tpu.memory_space<semaphore_mem>>) src(%dma_wait3A_196 : memref<256x2048xf32, #tpu.memory_space<vmem>>) dst(%dma_wait3A_192 : memref<256x2048xf32, #tpu.memory_space<any>>)
    } else {
    }
    %get3A = arith.constant 0 : index
    %get3A_3 = arith.constant 0 : index
    %get3A_4 = arith.constant 0 : index
    %get3A_5 = vector.load %arg1[%get3A, %get3A_3, %get3A_4] : memref<1x1x4096xf32, #tpu.memory_space<vmem>>, vector<1x1x4096xf32>
    %get3A_6 = vector.shape_cast %get3A_5 : vector<1x1x4096xf32> to vector<1x4096xf32>
    %roll3A = arith.constant 1 : i32
    %roll3A_7 = tpu.dynamic_rotate %get3A_6 by %roll3A dim 1 : vector<1x4096xf32>, i32 -> vector<1x4096xf32>
    %concatenate3A = tpu.concatenate %get3A_6, %roll3A_7 in 0 : vector<1x4096xf32>, vector<1x4096xf32> -> vector<2x4096xf32>
    %roll3A_8 = arith.constant 2 : i32
    %roll3A_9 = tpu.dynamic_rotate %concatenate3A by %roll3A_8 dim 1 : vector<2x4096xf32>, i32 -> vector<2x4096xf32>
    %concatenate3A_10 = tpu.concatenate %concatenate3A, %roll3A_9 in 0 : vector<2x4096xf32>, vector<2x4096xf32> -> vector<4x4096xf32>
    %roll3A_11 = arith.constant 4 : i32
    %roll3A_12 = tpu.dynamic_rotate %concatenate3A_10 by %roll3A_11 dim 1 : vector<4x4096xf32>, i32 -> vector<4x4096xf32>
    %concatenate3A_13 = tpu.concatenate %concatenate3A_10, %roll3A_12 in 0 : vector<4x4096xf32>, vector<4x4096xf32> -> vector<8x4096xf32>
    %roll3A_14 = arith.constant 8 : i32
    %roll3A_15 = tpu.dynamic_rotate %concatenate3A_13 by %roll3A_14 dim 1 : vector<8x4096xf32>, i32 -> vector<8x4096xf32>
    %concatenate3A_16 = tpu.concatenate %concatenate3A_13, %roll3A_15 in 0 : vector<8x4096xf32>, vector<8x4096xf32> -> vector<16x4096xf32>
    %roll3A_17 = arith.constant 16 : i32
    %roll3A_18 = tpu.dynamic_rotate %concatenate3A_16 by %roll3A_17 dim 1 : vector<16x4096xf32>, i32 -> vector<16x4096xf32>
    %concatenate3A_19 = tpu.concatenate %concatenate3A_16, %roll3A_18 in 0 : vector<16x4096xf32>, vector<16x4096xf32> -> vector<32x4096xf32>
    %roll3A_20 = arith.constant 32 : i32
    %roll3A_21 = tpu.dynamic_rotate %concatenate3A_19 by %roll3A_20 dim 1 : vector<32x4096xf32>, i32 -> vector<32x4096xf32>
    %concatenate3A_22 = tpu.concatenate %concatenate3A_19, %roll3A_21 in 0 : vector<32x4096xf32>, vector<32x4096xf32> -> vector<64x4096xf32>
    %roll3A_23 = arith.constant 64 : i32
    %roll3A_24 = tpu.dynamic_rotate %concatenate3A_22 by %roll3A_23 dim 1 : vector<64x4096xf32>, i32 -> vector<64x4096xf32>
    %concatenate3A_25 = tpu.concatenate %concatenate3A_22, %roll3A_24 in 0 : vector<64x4096xf32>, vector<64x4096xf32> -> vector<128x4096xf32>
    %roll3A_26 = arith.constant 128 : i32
    %roll3A_27 = tpu.dynamic_rotate %concatenate3A_25 by %roll3A_26 dim 1 : vector<128x4096xf32>, i32 -> vector<128x4096xf32>
    %concatenate3A_28 = tpu.concatenate %concatenate3A_25, %roll3A_27 in 0 : vector<128x4096xf32>, vector<128x4096xf32> -> vector<256x4096xf32>
    %swap3A = arith.index_cast %rem3A_0 : i32 to index
    %swap3A_29 = arith.constant 0 : index
    %swap3A_30 = arith.constant 0 : index
    %swap3A_31 = vector.load %arg3[%swap3A, %swap3A_29, %swap3A_30] : memref<2x256x4096xf32, #tpu.memory_space<vmem>>, vector<1x256x4096xf32>
    %swap3A_32 = vector.shape_cast %swap3A_31 : vector<1x256x4096xf32> to vector<256x4096xf32>
    %swap3A_33 = vector.shape_cast %concatenate3A_28 : vector<256x4096xf32> to vector<1x256x4096xf32>
    tpu.vector_store %arg3[%swap3A, %swap3A_29, %swap3A_30], %swap3A_33 {strides = array<i32>} : memref<2x256x4096xf32, #tpu.memory_space<vmem>>, vector<1x256x4096xf32>,
    %dma_start3A = tpu.memref_slice %arg4[%rem3A_0] : memref<2x!tpu.dma_semaphore, #tpu.memory_space<semaphore_mem>> -> memref<1x!tpu.dma_semaphore, #tpu.memory_space<semaphore_mem>>
    %dma_start3A_34 = tpu.memref_squeeze %dma_start3A : memref<1x!tpu.dma_semaphore, #tpu.memory_space<semaphore_mem>> -> memref<!tpu.dma_semaphore, #tpu.memory_space<semaphore_mem>>
    %dma_start3A_35 = arith.constant 0 : i32
    %dma_start3A_36 = arith.constant 0 : i32
    %dma_start3A_37 = tpu.memref_slice %arg2[%arg0, %dma_start3A_35, %dma_start3A_36] : memref<16x2048x2048xf32, #tpu.memory_space<any>> -> memref<1x256x2048xf32, #tpu.memory_space<any>>
    %dma_start3A_38 = tpu.memref_squeeze %dma_start3A_37 : memref<1x256x2048xf32, #tpu.memory_space<any>> -> memref<256x2048xf32, #tpu.memory_space<any>>
    %dma_start3A_39 = arith.constant 0 : i32
    %dma_start3A_40 = arith.constant 2048 : i32
    %dma_start3A_41 = tpu.memref_slice %arg3[%rem3A_0, %dma_start3A_39, %dma_start3A_40] : memref<2x256x4096xf32, #tpu.memory_space<vmem>> -> memref<1x256x2048xf32, #tpu.memory_space<vmem>>
    %dma_start3A_42 = tpu.memref_squeeze %dma_start3A_41 : memref<1x256x2048xf32, #tpu.memory_space<vmem>> -> memref<256x2048xf32, #tpu.memory_space<vmem>>
    tpu.enqueue_dma source(%dma_start3A_42 : memref<256x2048xf32, #tpu.memory_space<vmem>>) target(%dma_start3A_38 : memref<256x2048xf32, #tpu.memory_space<any>>) target_semaphore(%dma_start3A_34 : memref<!tpu.dma_semaphore, #tpu.memory_space<semaphore_mem>>)
    %dma_start3A_43 = tpu.memref_slice %arg4[%rem3A_0] : memref<2x!tpu.dma_semaphore, #tpu.memory_space<semaphore_mem>> -> memref<1x!tpu.dma_semaphore, #tpu.memory_space<semaphore_mem>>
    %dma_start3A_44 = tpu.memref_squeeze %dma_start3A_43 : memref<1x!tpu.dma_semaphore, #tpu.memory_space<semaphore_mem>> -> memref<!tpu.dma_semaphore, #tpu.memory_space<semaphore_mem>>
    %dma_start3A_45 = arith.constant 256 : i32
    %dma_start3A_46 = arith.constant 0 : i32
    %dma_start3A_47 = tpu.memref_slice %arg2[%arg0, %dma_start3A_45, %dma_start3A_46] : memref<16x2048x2048xf32, #tpu.memory_space<any>> -> memref<1x256x2048xf32, #tpu.memory_space<any>>
    %dma_start3A_48 = tpu.memref_squeeze %dma_start3A_47 : memref<1x256x2048xf32, #tpu.memory_space<any>> -> memref<256x2048xf32, #tpu.memory_space<any>>
    %dma_start3A_49 = arith.constant 0 : i32
    %dma_start3A_50 = arith.constant 1792 : i32
    %dma_start3A_51 = tpu.memref_slice %arg3[%rem3A_0, %dma_start3A_49, %dma_start3A_50] : memref<2x256x4096xf32, #tpu.memory_space<vmem>> -> memref<1x256x2048xf32, #tpu.memory_space<vmem>>
    %dma_start3A_52 = tpu.memref_squeeze %dma_start3A_51 : memref<1x256x2048xf32, #tpu.memory_space<vmem>> -> memref<256x2048xf32, #tpu.memory_space<vmem>>
    tpu.enqueue_dma source(%dma_start3A_52 : memref<256x2048xf32, #tpu.memory_space<vmem>>) target(%dma_start3A_48 : memref<256x2048xf32, #tpu.memory_space<any>>) target_semaphore(%dma_start3A_44 : memref<!tpu.dma_semaphore, #tpu.memory_space<semaphore_mem>>)
    %dma_start3A_53 = tpu.memref_slice %arg4[%rem3A_0] : memref<2x!tpu.dma_semaphore, #tpu.memory_space<semaphore_mem>> -> memref<1x!tpu.dma_semaphore, #tpu.memory_space<semaphore_mem>>
    %dma_start3A_54 = tpu.memref_squeeze %dma_start3A_53 : memref<1x!tpu.dma_semaphore, #tpu.memory_space<semaphore_mem>> -> memref<!tpu.dma_semaphore, #tpu.memory_space<semaphore_mem>>
    %dma_start3A_55 = arith.constant 512 : i32
    %dma_start3A_56 = arith.constant 0 : i32
    %dma_start3A_57 = tpu.memref_slice %arg2[%arg0, %dma_start3A_55, %dma_start3A_56] : memref<16x2048x2048xf32, #tpu.memory_space<any>> -> memref<1x256x2048xf32, #tpu.memory_space<any>>
    %dma_start3A_58 = tpu.memref_squeeze %dma_start3A_57 : memref<1x256x2048xf32, #tpu.memory_space<any>> -> memref<256x2048xf32, #tpu.memory_space<any>>
    %dma_start3A_59 = arith.constant 0 : i32
    %dma_start3A_60 = arith.constant 1536 : i32
    %dma_start3A_61 = tpu.memref_slice %arg3[%rem3A_0, %dma_start3A_59, %dma_start3A_60] : memref<2x256x4096xf32, #tpu.memory_space<vmem>> -> memref<1x256x2048xf32, #tpu.memory_space<vmem>>
    %dma_start3A_62 = tpu.memref_squeeze %dma_start3A_61 : memref<1x256x2048xf32, #tpu.memory_space<vmem>> -> memref<256x2048xf32, #tpu.memory_space<vmem>>
    tpu.enqueue_dma source(%dma_start3A_62 : memref<256x2048xf32, #tpu.memory_space<vmem>>) target(%dma_start3A_58 : memref<256x2048xf32, #tpu.memory_space<any>>) target_semaphore(%dma_start3A_54 : memref<!tpu.dma_semaphore, #tpu.memory_space<semaphore_mem>>)
    %dma_start3A_63 = tpu.memref_slice %arg4[%rem3A_0] : memref<2x!tpu.dma_semaphore, #tpu.memory_space<semaphore_mem>> -> memref<1x!tpu.dma_semaphore, #tpu.memory_space<semaphore_mem>>
    %dma_start3A_64 = tpu.memref_squeeze %dma_start3A_63 : memref<1x!tpu.dma_semaphore, #tpu.memory_space<semaphore_mem>> -> memref<!tpu.dma_semaphore, #tpu.memory_space<semaphore_mem>>
    %dma_start3A_65 = arith.constant 768 : i32
    %dma_start3A_66 = arith.constant 0 : i32
    %dma_start3A_67 = tpu.memref_slice %arg2[%arg0, %dma_start3A_65, %dma_start3A_66] : memref<16x2048x2048xf32, #tpu.memory_space<any>> -> memref<1x256x2048xf32, #tpu.memory_space<any>>
    %dma_start3A_68 = tpu.memref_squeeze %dma_start3A_67 : memref<1x256x2048xf32, #tpu.memory_space<any>> -> memref<256x2048xf32, #tpu.memory_space<any>>
    %dma_start3A_69 = arith.constant 0 : i32
    %dma_start3A_70 = arith.constant 1280 : i32
    %dma_start3A_71 = tpu.memref_slice %arg3[%rem3A_0, %dma_start3A_69, %dma_start3A_70] : memref<2x256x4096xf32, #tpu.memory_space<vmem>> -> memref<1x256x2048xf32, #tpu.memory_space<vmem>>
    %dma_start3A_72 = tpu.memref_squeeze %dma_start3A_71 : memref<1x256x2048xf32, #tpu.memory_space<vmem>> -> memref<256x2048xf32, #tpu.memory_space<vmem>>
    tpu.enqueue_dma source(%dma_start3A_72 : memref<256x2048xf32, #tpu.memory_space<vmem>>) target(%dma_start3A_68 : memref<256x2048xf32, #tpu.memory_space<any>>) target_semaphore(%dma_start3A_64 : memref<!tpu.dma_semaphore, #tpu.memory_space<semaphore_mem>>)
    %dma_start3A_73 = tpu.memref_slice %arg4[%rem3A_0] : memref<2x!tpu.dma_semaphore, #tpu.memory_space<semaphore_mem>> -> memref<1x!tpu.dma_semaphore, #tpu.memory_space<semaphore_mem>>
    %dma_start3A_74 = tpu.memref_squeeze %dma_start3A_73 : memref<1x!tpu.dma_semaphore, #tpu.memory_space<semaphore_mem>> -> memref<!tpu.dma_semaphore, #tpu.memory_space<semaphore_mem>>
    %dma_start3A_75 = arith.constant 1024 : i32
    %dma_start3A_76 = arith.constant 0 : i32
    %dma_start3A_77 = tpu.memref_slice %arg2[%arg0, %dma_start3A_75, %dma_start3A_76] : memref<16x2048x2048xf32, #tpu.memory_space<any>> -> memref<1x256x2048xf32, #tpu.memory_space<any>>
    %dma_start3A_78 = tpu.memref_squeeze %dma_start3A_77 : memref<1x256x2048xf32, #tpu.memory_space<any>> -> memref<256x2048xf32, #tpu.memory_space<any>>
    %dma_start3A_79 = arith.constant 0 : i32
    %dma_start3A_80 = arith.constant 1024 : i32
    %dma_start3A_81 = tpu.memref_slice %arg3[%rem3A_0, %dma_start3A_79, %dma_start3A_80] : memref<2x256x4096xf32, #tpu.memory_space<vmem>> -> memref<1x256x2048xf32, #tpu.memory_space<vmem>>
    %dma_start3A_82 = tpu.memref_squeeze %dma_start3A_81 : memref<1x256x2048xf32, #tpu.memory_space<vmem>> -> memref<256x2048xf32, #tpu.memory_space<vmem>>
    tpu.enqueue_dma source(%dma_start3A_82 : memref<256x2048xf32, #tpu.memory_space<vmem>>) target(%dma_start3A_78 : memref<256x2048xf32, #tpu.memory_space<any>>) target_semaphore(%dma_start3A_74 : memref<!tpu.dma_semaphore, #tpu.memory_space<semaphore_mem>>)
    %dma_start3A_83 = tpu.memref_slice %arg4[%rem3A_0] : memref<2x!tpu.dma_semaphore, #tpu.memory_space<semaphore_mem>> -> memref<1x!tpu.dma_semaphore, #tpu.memory_space<semaphore_mem>>
    %dma_start3A_84 = tpu.memref_squeeze %dma_start3A_83 : memref<1x!tpu.dma_semaphore, #tpu.memory_space<semaphore_mem>> -> memref<!tpu.dma_semaphore, #tpu.memory_space<semaphore_mem>>
    %dma_start3A_85 = arith.constant 1280 : i32
    %dma_start3A_86 = arith.constant 0 : i32
    %dma_start3A_87 = tpu.memref_slice %arg2[%arg0, %dma_start3A_85, %dma_start3A_86] : memref<16x2048x2048xf32, #tpu.memory_space<any>> -> memref<1x256x2048xf32, #tpu.memory_space<any>>
    %dma_start3A_88 = tpu.memref_squeeze %dma_start3A_87 : memref<1x256x2048xf32, #tpu.memory_space<any>> -> memref<256x2048xf32, #tpu.memory_space<any>>
    %dma_start3A_89 = arith.constant 0 : i32
    %dma_start3A_90 = arith.constant 768 : i32
    %dma_start3A_91 = tpu.memref_slice %arg3[%rem3A_0, %dma_start3A_89, %dma_start3A_90] : memref<2x256x4096xf32, #tpu.memory_space<vmem>> -> memref<1x256x2048xf32, #tpu.memory_space<vmem>>
    %dma_start3A_92 = tpu.memref_squeeze %dma_start3A_91 : memref<1x256x2048xf32, #tpu.memory_space<vmem>> -> memref<256x2048xf32, #tpu.memory_space<vmem>>
    tpu.enqueue_dma source(%dma_start3A_92 : memref<256x2048xf32, #tpu.memory_space<vmem>>) target(%dma_start3A_88 : memref<256x2048xf32, #tpu.memory_space<any>>) target_semaphore(%dma_start3A_84 : memref<!tpu.dma_semaphore, #tpu.memory_space<semaphore_mem>>)
    %dma_start3A_93 = tpu.memref_slice %arg4[%rem3A_0] : memref<2x!tpu.dma_semaphore, #tpu.memory_space<semaphore_mem>> -> memref<1x!tpu.dma_semaphore, #tpu.memory_space<semaphore_mem>>
    %dma_start3A_94 = tpu.memref_squeeze %dma_start3A_93 : memref<1x!tpu.dma_semaphore, #tpu.memory_space<semaphore_mem>> -> memref<!tpu.dma_semaphore, #tpu.memory_space<semaphore_mem>>
    %dma_start3A_95 = arith.constant 1536 : i32
    %dma_start3A_96 = arith.constant 0 : i32
    %dma_start3A_97 = tpu.memref_slice %arg2[%arg0, %dma_start3A_95, %dma_start3A_96] : memref<16x2048x2048xf32, #tpu.memory_space<any>> -> memref<1x256x2048xf32, #tpu.memory_space<any>>
    %dma_start3A_98 = tpu.memref_squeeze %dma_start3A_97 : memref<1x256x2048xf32, #tpu.memory_space<any>> -> memref<256x2048xf32, #tpu.memory_space<any>>
    %dma_start3A_99 = arith.constant 0 : i32
    %dma_start3A_100 = arith.constant 512 : i32
    %dma_start3A_101 = tpu.memref_slice %arg3[%rem3A_0, %dma_start3A_99, %dma_start3A_100] : memref<2x256x4096xf32, #tpu.memory_space<vmem>> -> memref<1x256x2048xf32, #tpu.memory_space<vmem>>
    %dma_start3A_102 = tpu.memref_squeeze %dma_start3A_101 : memref<1x256x2048xf32, #tpu.memory_space<vmem>> -> memref<256x2048xf32, #tpu.memory_space<vmem>>
    tpu.enqueue_dma source(%dma_start3A_102 : memref<256x2048xf32, #tpu.memory_space<vmem>>) target(%dma_start3A_98 : memref<256x2048xf32, #tpu.memory_space<any>>) target_semaphore(%dma_start3A_94 : memref<!tpu.dma_semaphore, #tpu.memory_space<semaphore_mem>>)
    %dma_start3A_103 = tpu.memref_slice %arg4[%rem3A_0] : memref<2x!tpu.dma_semaphore, #tpu.memory_space<semaphore_mem>> -> memref<1x!tpu.dma_semaphore, #tpu.memory_space<semaphore_mem>>
    %dma_start3A_104 = tpu.memref_squeeze %dma_start3A_103 : memref<1x!tpu.dma_semaphore, #tpu.memory_space<semaphore_mem>> -> memref<!tpu.dma_semaphore, #tpu.memory_space<semaphore_mem>>
    %dma_start3A_105 = arith.constant 1792 : i32
    %dma_start3A_106 = arith.constant 0 : i32
    %dma_start3A_107 = tpu.memref_slice %arg2[%arg0, %dma_start3A_105, %dma_start3A_106] : memref<16x2048x2048xf32, #tpu.memory_space<any>> -> memref<1x256x2048xf32, #tpu.memory_space<any>>
    %dma_start3A_108 = tpu.memref_squeeze %dma_start3A_107 : memref<1x256x2048xf32, #tpu.memory_space<any>> -> memref<256x2048xf32, #tpu.memory_space<any>>
    %dma_start3A_109 = arith.constant 0 : i32
    %dma_start3A_110 = arith.constant 256 : i32
    %dma_start3A_111 = tpu.memref_slice %arg3[%rem3A_0, %dma_start3A_109, %dma_start3A_110] : memref<2x256x4096xf32, #tpu.memory_space<vmem>> -> memref<1x256x2048xf32, #tpu.memory_space<vmem>>
    %dma_start3A_112 = tpu.memref_squeeze %dma_start3A_111 : memref<1x256x2048xf32, #tpu.memory_space<vmem>> -> memref<256x2048xf32, #tpu.memory_space<vmem>>
    tpu.enqueue_dma source(%dma_start3A_112 : memref<256x2048xf32, #tpu.memory_space<vmem>>) target(%dma_start3A_108 : memref<256x2048xf32, #tpu.memory_space<any>>) target_semaphore(%dma_start3A_104 : memref<!tpu.dma_semaphore, #tpu.memory_space<semaphore_mem>>)
    %eq3A = arith.constant 15 : i32
    %eq3A_113 = arith.cmpi eq, %arg0, %eq3A : i32
    %convert_element_type3A_114 = arith.extui %eq3A_113 : i1 to i32
    %cond3A_115 = arith.constant 0 : i32
    %cond3A_116 = arith.cmpi ne, %convert_element_type3A_114, %cond3A_115 : i32
    scf.if %cond3A_116 {
      %sub3A = arith.constant 1 : i32
      %sub3A_117 = arith.subi %arg0, %sub3A : i32
      %sub3A_118 = arith.constant 1 : i32
      %sub3A_119 = arith.subi %sub3A_118, %rem3A_0 : i32
      %dma_wait3A = tpu.memref_slice %arg4[%sub3A_119] : memref<2x!tpu.dma_semaphore, #tpu.memory_space<semaphore_mem>> -> memref<1x!tpu.dma_semaphore, #tpu.memory_space<semaphore_mem>>
      %dma_wait3A_120 = tpu.memref_squeeze %dma_wait3A : memref<1x!tpu.dma_semaphore, #tpu.memory_space<semaphore_mem>> -> memref<!tpu.dma_semaphore, #tpu.memory_space<semaphore_mem>>
      %dma_wait3A_121 = arith.constant 0 : i32
      %dma_wait3A_122 = arith.constant 0 : i32
      %dma_wait3A_123 = tpu.memref_slice %arg2[%sub3A_117, %dma_wait3A_121, %dma_wait3A_122] : memref<16x2048x2048xf32, #tpu.memory_space<any>> -> memref<1x256x2048xf32, #tpu.memory_space<any>>
      %dma_wait3A_124 = tpu.memref_squeeze %dma_wait3A_123 : memref<1x256x2048xf32, #tpu.memory_space<any>> -> memref<256x2048xf32, #tpu.memory_space<any>>
      %dma_wait3A_125 = arith.constant 0 : i32
      %dma_wait3A_126 = arith.constant 2048 : i32
      %dma_wait3A_127 = tpu.memref_slice %arg3[%sub3A_119, %dma_wait3A_125, %dma_wait3A_126] : memref<2x256x4096xf32, #tpu.memory_space<vmem>> -> memref<1x256x2048xf32, #tpu.memory_space<vmem>>
      %dma_wait3A_128 = tpu.memref_squeeze %dma_wait3A_127 : memref<1x256x2048xf32, #tpu.memory_space<vmem>> -> memref<256x2048xf32, #tpu.memory_space<vmem>>
      tpu.wait_dma2 semaphore(%dma_wait3A_120 : memref<!tpu.dma_semaphore, #tpu.memory_space<semaphore_mem>>) src(%dma_wait3A_128 : memref<256x2048xf32, #tpu.memory_space<vmem>>) dst(%dma_wait3A_124 : memref<256x2048xf32, #tpu.memory_space<any>>)
      %dma_wait3A_129 = tpu.memref_slice %arg4[%sub3A_119] : memref<2x!tpu.dma_semaphore, #tpu.memory_space<semaphore_mem>> -> memref<1x!tpu.dma_semaphore, #tpu.memory_space<semaphore_mem>>
      %dma_wait3A_130 = tpu.memref_squeeze %dma_wait3A_129 : memref<1x!tpu.dma_semaphore, #tpu.memory_space<semaphore_mem>> -> memref<!tpu.dma_semaphore, #tpu.memory_space<semaphore_mem>>
      %dma_wait3A_131 = arith.constant 256 : i32
      %dma_wait3A_132 = arith.constant 0 : i32
      %dma_wait3A_133 = tpu.memref_slice %arg2[%sub3A_117, %dma_wait3A_131, %dma_wait3A_132] : memref<16x2048x2048xf32, #tpu.memory_space<any>> -> memref<1x256x2048xf32, #tpu.memory_space<any>>
      %dma_wait3A_134 = tpu.memref_squeeze %dma_wait3A_133 : memref<1x256x2048xf32, #tpu.memory_space<any>> -> memref<256x2048xf32, #tpu.memory_space<any>>
      %dma_wait3A_135 = arith.constant 0 : i32
      %dma_wait3A_136 = arith.constant 1792 : i32
      %dma_wait3A_137 = tpu.memref_slice %arg3[%sub3A_119, %dma_wait3A_135, %dma_wait3A_136] : memref<2x256x4096xf32, #tpu.memory_space<vmem>> -> memref<1x256x2048xf32, #tpu.memory_space<vmem>>
      %dma_wait3A_138 = tpu.memref_squeeze %dma_wait3A_137 : memref<1x256x2048xf32, #tpu.memory_space<vmem>> -> memref<256x2048xf32, #tpu.memory_space<vmem>>
      tpu.wait_dma2 semaphore(%dma_wait3A_130 : memref<!tpu.dma_semaphore, #tpu.memory_space<semaphore_mem>>) src(%dma_wait3A_138 : memref<256x2048xf32, #tpu.memory_space<vmem>>) dst(%dma_wait3A_134 : memref<256x2048xf32, #tpu.memory_space<any>>)
      %dma_wait3A_139 = tpu.memref_slice %arg4[%sub3A_119] : memref<2x!tpu.dma_semaphore, #tpu.memory_space<semaphore_mem>> -> memref<1x!tpu.dma_semaphore, #tpu.memory_space<semaphore_mem>>
      %dma_wait3A_140 = tpu.memref_squeeze %dma_wait3A_139 : memref<1x!tpu.dma_semaphore, #tpu.memory_space<semaphore_mem>> -> memref<!tpu.dma_semaphore, #tpu.memory_space<semaphore_mem>>
      %dma_wait3A_141 = arith.constant 512 : i32
      %dma_wait3A_142 = arith.constant 0 : i32
      %dma_wait3A_143 = tpu.memref_slice %arg2[%sub3A_117, %dma_wait3A_141, %dma_wait3A_142] : memref<16x2048x2048xf32, #tpu.memory_space<any>> -> memref<1x256x2048xf32, #tpu.memory_space<any>>
      %dma_wait3A_144 = tpu.memref_squeeze %dma_wait3A_143 : memref<1x256x2048xf32, #tpu.memory_space<any>> -> memref<256x2048xf32, #tpu.memory_space<any>>
      %dma_wait3A_145 = arith.constant 0 : i32
      %dma_wait3A_146 = arith.constant 1536 : i32
      %dma_wait3A_147 = tpu.memref_slice %arg3[%sub3A_119, %dma_wait3A_145, %dma_wait3A_146] : memref<2x256x4096xf32, #tpu.memory_space<vmem>> -> memref<1x256x2048xf32, #tpu.memory_space<vmem>>
      %dma_wait3A_148 = tpu.memref_squeeze %dma_wait3A_147 : memref<1x256x2048xf32, #tpu.memory_space<vmem>> -> memref<256x2048xf32, #tpu.memory_space<vmem>>
      tpu.wait_dma2 semaphore(%dma_wait3A_140 : memref<!tpu.dma_semaphore, #tpu.memory_space<semaphore_mem>>) src(%dma_wait3A_148 : memref<256x2048xf32, #tpu.memory_space<vmem>>) dst(%dma_wait3A_144 : memref<256x2048xf32, #tpu.memory_space<any>>)
      %dma_wait3A_149 = tpu.memref_slice %arg4[%sub3A_119] : memref<2x!tpu.dma_semaphore, #tpu.memory_space<semaphore_mem>> -> memref<1x!tpu.dma_semaphore, #tpu.memory_space<semaphore_mem>>
      %dma_wait3A_150 = tpu.memref_squeeze %dma_wait3A_149 : memref<1x!tpu.dma_semaphore, #tpu.memory_space<semaphore_mem>> -> memref<!tpu.dma_semaphore, #tpu.memory_space<semaphore_mem>>
      %dma_wait3A_151 = arith.constant 768 : i32
      %dma_wait3A_152 = arith.constant 0 : i32
      %dma_wait3A_153 = tpu.memref_slice %arg2[%sub3A_117, %dma_wait3A_151, %dma_wait3A_152] : memref<16x2048x2048xf32, #tpu.memory_space<any>> -> memref<1x256x2048xf32, #tpu.memory_space<any>>
      %dma_wait3A_154 = tpu.memref_squeeze %dma_wait3A_153 : memref<1x256x2048xf32, #tpu.memory_space<any>> -> memref<256x2048xf32, #tpu.memory_space<any>>
      %dma_wait3A_155 = arith.constant 0 : i32
      %dma_wait3A_156 = arith.constant 1280 : i32
      %dma_wait3A_157 = tpu.memref_slice %arg3[%sub3A_119, %dma_wait3A_155, %dma_wait3A_156] : memref<2x256x4096xf32, #tpu.memory_space<vmem>> -> memref<1x256x2048xf32, #tpu.memory_space<vmem>>
      %dma_wait3A_158 = tpu.memref_squeeze %dma_wait3A_157 : memref<1x256x2048xf32, #tpu.memory_space<vmem>> -> memref<256x2048xf32, #tpu.memory_space<vmem>>
      tpu.wait_dma2 semaphore(%dma_wait3A_150 : memref<!tpu.dma_semaphore, #tpu.memory_space<semaphore_mem>>) src(%dma_wait3A_158 : memref<256x2048xf32, #tpu.memory_space<vmem>>) dst(%dma_wait3A_154 : memref<256x2048xf32, #tpu.memory_space<any>>)
      %dma_wait3A_159 = tpu.memref_slice %arg4[%sub3A_119] : memref<2x!tpu.dma_semaphore, #tpu.memory_space<semaphore_mem>> -> memref<1x!tpu.dma_semaphore, #tpu.memory_space<semaphore_mem>>
      %dma_wait3A_160 = tpu.memref_squeeze %dma_wait3A_159 : memref<1x!tpu.dma_semaphore, #tpu.memory_space<semaphore_mem>> -> memref<!tpu.dma_semaphore, #tpu.memory_space<semaphore_mem>>
      %dma_wait3A_161 = arith.constant 1024 : i32
      %dma_wait3A_162 = arith.constant 0 : i32
      %dma_wait3A_163 = tpu.memref_slice %arg2[%sub3A_117, %dma_wait3A_161, %dma_wait3A_162] : memref<16x2048x2048xf32, #tpu.memory_space<any>> -> memref<1x256x2048xf32, #tpu.memory_space<any>>
      %dma_wait3A_164 = tpu.memref_squeeze %dma_wait3A_163 : memref<1x256x2048xf32, #tpu.memory_space<any>> -> memref<256x2048xf32, #tpu.memory_space<any>>
      %dma_wait3A_165 = arith.constant 0 : i32
      %dma_wait3A_166 = arith.constant 1024 : i32
      %dma_wait3A_167 = tpu.memref_slice %arg3[%sub3A_119, %dma_wait3A_165, %dma_wait3A_166] : memref<2x256x4096xf32, #tpu.memory_space<vmem>> -> memref<1x256x2048xf32, #tpu.memory_space<vmem>>
      %dma_wait3A_168 = tpu.memref_squeeze %dma_wait3A_167 : memref<1x256x2048xf32, #tpu.memory_space<vmem>> -> memref<256x2048xf32, #tpu.memory_space<vmem>>
      tpu.wait_dma2 semaphore(%dma_wait3A_160 : memref<!tpu.dma_semaphore, #tpu.memory_space<semaphore_mem>>) src(%dma_wait3A_168 : memref<256x2048xf32, #tpu.memory_space<vmem>>) dst(%dma_wait3A_164 : memref<256x2048xf32, #tpu.memory_space<any>>)
      %dma_wait3A_169 = tpu.memref_slice %arg4[%sub3A_119] : memref<2x!tpu.dma_semaphore, #tpu.memory_space<semaphore_mem>> -> memref<1x!tpu.dma_semaphore, #tpu.memory_space<semaphore_mem>>
      %dma_wait3A_170 = tpu.memref_squeeze %dma_wait3A_169 : memref<1x!tpu.dma_semaphore, #tpu.memory_space<semaphore_mem>> -> memref<!tpu.dma_semaphore, #tpu.memory_space<semaphore_mem>>
      %dma_wait3A_171 = arith.constant 1280 : i32
      %dma_wait3A_172 = arith.constant 0 : i32
      %dma_wait3A_173 = tpu.memref_slice %arg2[%sub3A_117, %dma_wait3A_171, %dma_wait3A_172] : memref<16x2048x2048xf32, #tpu.memory_space<any>> -> memref<1x256x2048xf32, #tpu.memory_space<any>>
      %dma_wait3A_174 = tpu.memref_squeeze %dma_wait3A_173 : memref<1x256x2048xf32, #tpu.memory_space<any>> -> memref<256x2048xf32, #tpu.memory_space<any>>
      %dma_wait3A_175 = arith.constant 0 : i32
      %dma_wait3A_176 = arith.constant 768 : i32
      %dma_wait3A_177 = tpu.memref_slice %arg3[%sub3A_119, %dma_wait3A_175, %dma_wait3A_176] : memref<2x256x4096xf32, #tpu.memory_space<vmem>> -> memref<1x256x2048xf32, #tpu.memory_space<vmem>>
      %dma_wait3A_178 = tpu.memref_squeeze %dma_wait3A_177 : memref<1x256x2048xf32, #tpu.memory_space<vmem>> -> memref<256x2048xf32, #tpu.memory_space<vmem>>
      tpu.wait_dma2 semaphore(%dma_wait3A_170 : memref<!tpu.dma_semaphore, #tpu.memory_space<semaphore_mem>>) src(%dma_wait3A_178 : memref<256x2048xf32, #tpu.memory_space<vmem>>) dst(%dma_wait3A_174 : memref<256x2048xf32, #tpu.memory_space<any>>)
      %dma_wait3A_179 = tpu.memref_slice %arg4[%sub3A_119] : memref<2x!tpu.dma_semaphore, #tpu.memory_space<semaphore_mem>> -> memref<1x!tpu.dma_semaphore, #tpu.memory_space<semaphore_mem>>
      %dma_wait3A_180 = tpu.memref_squeeze %dma_wait3A_179 : memref<1x!tpu.dma_semaphore, #tpu.memory_space<semaphore_mem>> -> memref<!tpu.dma_semaphore, #tpu.memory_space<semaphore_mem>>
      %dma_wait3A_181 = arith.constant 1536 : i32
      %dma_wait3A_182 = arith.constant 0 : i32
      %dma_wait3A_183 = tpu.memref_slice %arg2[%sub3A_117, %dma_wait3A_181, %dma_wait3A_182] : memref<16x2048x2048xf32, #tpu.memory_space<any>> -> memref<1x256x2048xf32, #tpu.memory_space<any>>
      %dma_wait3A_184 = tpu.memref_squeeze %dma_wait3A_183 : memref<1x256x2048xf32, #tpu.memory_space<any>> -> memref<256x2048xf32, #tpu.memory_space<any>>
      %dma_wait3A_185 = arith.constant 0 : i32
      %dma_wait3A_186 = arith.constant 512 : i32
      %dma_wait3A_187 = tpu.memref_slice %arg3[%sub3A_119, %dma_wait3A_185, %dma_wait3A_186] : memref<2x256x4096xf32, #tpu.memory_space<vmem>> -> memref<1x256x2048xf32, #tpu.memory_space<vmem>>
      %dma_wait3A_188 = tpu.memref_squeeze %dma_wait3A_187 : memref<1x256x2048xf32, #tpu.memory_space<vmem>> -> memref<256x2048xf32, #tpu.memory_space<vmem>>
      tpu.wait_dma2 semaphore(%dma_wait3A_180 : memref<!tpu.dma_semaphore, #tpu.memory_space<semaphore_mem>>) src(%dma_wait3A_188 : memref<256x2048xf32, #tpu.memory_space<vmem>>) dst(%dma_wait3A_184 : memref<256x2048xf32, #tpu.memory_space<any>>)
      %dma_wait3A_189 = tpu.memref_slice %arg4[%sub3A_119] : memref<2x!tpu.dma_semaphore, #tpu.memory_space<semaphore_mem>> -> memref<1x!tpu.dma_semaphore, #tpu.memory_space<semaphore_mem>>
      %dma_wait3A_190 = tpu.memref_squeeze %dma_wait3A_189 : memref<1x!tpu.dma_semaphore, #tpu.memory_space<semaphore_mem>> -> memref<!tpu.dma_semaphore, #tpu.memory_space<semaphore_mem>>
      %dma_wait3A_191 = arith.constant 1792 : i32
      %dma_wait3A_192 = arith.constant 0 : i32
      %dma_wait3A_193 = tpu.memref_slice %arg2[%sub3A_117, %dma_wait3A_191, %dma_wait3A_192] : memref<16x2048x2048xf32, #tpu.memory_space<any>> -> memref<1x256x2048xf32, #tpu.memory_space<any>>
      %dma_wait3A_194 = tpu.memref_squeeze %dma_wait3A_193 : memref<1x256x2048xf32, #tpu.memory_space<any>> -> memref<256x2048xf32, #tpu.memory_space<any>>
      %dma_wait3A_195 = arith.constant 0 : i32
      %dma_wait3A_196 = arith.constant 256 : i32
      %dma_wait3A_197 = tpu.memref_slice %arg3[%sub3A_119, %dma_wait3A_195, %dma_wait3A_196] : memref<2x256x4096xf32, #tpu.memory_space<vmem>> -> memref<1x256x2048xf32, #tpu.memory_space<vmem>>
      %dma_wait3A_198 = tpu.memref_squeeze %dma_wait3A_197 : memref<1x256x2048xf32, #tpu.memory_space<vmem>> -> memref<256x2048xf32, #tpu.memory_space<vmem>>
      tpu.wait_dma2 semaphore(%dma_wait3A_190 : memref<!tpu.dma_semaphore, #tpu.memory_space<semaphore_mem>>) src(%dma_wait3A_198 : memref<256x2048xf32, #tpu.memory_space<vmem>>) dst(%dma_wait3A_194 : memref<256x2048xf32, #tpu.memory_space<any>>)
      %dma_wait3A_199 = tpu.memref_slice %arg4[%rem3A_0] : memref<2x!tpu.dma_semaphore, #tpu.memory_space<semaphore_mem>> -> memref<1x!tpu.dma_semaphore, #tpu.memory_space<semaphore_mem>>
      %dma_wait3A_200 = tpu.memref_squeeze %dma_wait3A_199 : memref<1x!tpu.dma_semaphore, #tpu.memory_space<semaphore_mem>> -> memref<!tpu.dma_semaphore, #tpu.memory_space<semaphore_mem>>
      %dma_wait3A_201 = arith.constant 0 : i32
      %dma_wait3A_202 = arith.constant 0 : i32
      %dma_wait3A_203 = tpu.memref_slice %arg2[%arg0, %dma_wait3A_201, %dma_wait3A_202] : memref<16x2048x2048xf32, #tpu.memory_space<any>> -> memref<1x256x2048xf32, #tpu.memory_space<any>>
      %dma_wait3A_204 = tpu.memref_squeeze %dma_wait3A_203 : memref<1x256x2048xf32, #tpu.memory_space<any>> -> memref<256x2048xf32, #tpu.memory_space<any>>
      %dma_wait3A_205 = arith.constant 0 : i32
      %dma_wait3A_206 = arith.constant 2048 : i32
      %dma_wait3A_207 = tpu.memref_slice %arg3[%rem3A_0, %dma_wait3A_205, %dma_wait3A_206] : memref<2x256x4096xf32, #tpu.memory_space<vmem>> -> memref<1x256x2048xf32, #tpu.memory_space<vmem>>
      %dma_wait3A_208 = tpu.memref_squeeze %dma_wait3A_207 : memref<1x256x2048xf32, #tpu.memory_space<vmem>> -> memref<256x2048xf32, #tpu.memory_space<vmem>>
      tpu.wait_dma2 semaphore(%dma_wait3A_200 : memref<!tpu.dma_semaphore, #tpu.memory_space<semaphore_mem>>) src(%dma_wait3A_208 : memref<256x2048xf32, #tpu.memory_space<vmem>>) dst(%dma_wait3A_204 : memref<256x2048xf32, #tpu.memory_space<any>>)
      %dma_wait3A_209 = tpu.memref_slice %arg4[%rem3A_0] : memref<2x!tpu.dma_semaphore, #tpu.memory_space<semaphore_mem>> -> memref<1x!tpu.dma_semaphore, #tpu.memory_space<semaphore_mem>>
      %dma_wait3A_210 = tpu.memref_squeeze %dma_wait3A_209 : memref<1x!tpu.dma_semaphore, #tpu.memory_space<semaphore_mem>> -> memref<!tpu.dma_semaphore, #tpu.memory_space<semaphore_mem>>
      %dma_wait3A_211 = arith.constant 256 : i32
      %dma_wait3A_212 = arith.constant 0 : i32
      %dma_wait3A_213 = tpu.memref_slice %arg2[%arg0, %dma_wait3A_211, %dma_wait3A_212] : memref<16x2048x2048xf32, #tpu.memory_space<any>> -> memref<1x256x2048xf32, #tpu.memory_space<any>>
      %dma_wait3A_214 = tpu.memref_squeeze %dma_wait3A_213 : memref<1x256x2048xf32, #tpu.memory_space<any>> -> memref<256x2048xf32, #tpu.memory_space<any>>
      %dma_wait3A_215 = arith.constant 0 : i32
      %dma_wait3A_216 = arith.constant 1792 : i32
      %dma_wait3A_217 = tpu.memref_slice %arg3[%rem3A_0, %dma_wait3A_215, %dma_wait3A_216] : memref<2x256x4096xf32, #tpu.memory_space<vmem>> -> memref<1x256x2048xf32, #tpu.memory_space<vmem>>
      %dma_wait3A_218 = tpu.memref_squeeze %dma_wait3A_217 : memref<1x256x2048xf32, #tpu.memory_space<vmem>> -> memref<256x2048xf32, #tpu.memory_space<vmem>>
      tpu.wait_dma2 semaphore(%dma_wait3A_210 : memref<!tpu.dma_semaphore, #tpu.memory_space<semaphore_mem>>) src(%dma_wait3A_218 : memref<256x2048xf32, #tpu.memory_space<vmem>>) dst(%dma_wait3A_214 : memref<256x2048xf32, #tpu.memory_space<any>>)
      %dma_wait3A_219 = tpu.memref_slice %arg4[%rem3A_0] : memref<2x!tpu.dma_semaphore, #tpu.memory_space<semaphore_mem>> -> memref<1x!tpu.dma_semaphore, #tpu.memory_space<semaphore_mem>>
      %dma_wait3A_220 = tpu.memref_squeeze %dma_wait3A_219 : memref<1x!tpu.dma_semaphore, #tpu.memory_space<semaphore_mem>> -> memref<!tpu.dma_semaphore, #tpu.memory_space<semaphore_mem>>
      %dma_wait3A_221 = arith.constant 512 : i32
      %dma_wait3A_222 = arith.constant 0 : i32
      %dma_wait3A_223 = tpu.memref_slice %arg2[%arg0, %dma_wait3A_221, %dma_wait3A_222] : memref<16x2048x2048xf32, #tpu.memory_space<any>> -> memref<1x256x2048xf32, #tpu.memory_space<any>>
      %dma_wait3A_224 = tpu.memref_squeeze %dma_wait3A_223 : memref<1x256x2048xf32, #tpu.memory_space<any>> -> memref<256x2048xf32, #tpu.memory_space<any>>
      %dma_wait3A_225 = arith.constant 0 : i32
      %dma_wait3A_226 = arith.constant 1536 : i32
      %dma_wait3A_227 = tpu.memref_slice %arg3[%rem3A_0, %dma_wait3A_225, %dma_wait3A_226] : memref<2x256x4096xf32, #tpu.memory_space<vmem>> -> memref<1x256x2048xf32, #tpu.memory_space<vmem>>
      %dma_wait3A_228 = tpu.memref_squeeze %dma_wait3A_227 : memref<1x256x2048xf32, #tpu.memory_space<vmem>> -> memref<256x2048xf32, #tpu.memory_space<vmem>>
      tpu.wait_dma2 semaphore(%dma_wait3A_220 : memref<!tpu.dma_semaphore, #tpu.memory_space<semaphore_mem>>) src(%dma_wait3A_228 : memref<256x2048xf32, #tpu.memory_space<vmem>>) dst(%dma_wait3A_224 : memref<256x2048xf32, #tpu.memory_space<any>>)
      %dma_wait3A_229 = tpu.memref_slice %arg4[%rem3A_0] : memref<2x!tpu.dma_semaphore, #tpu.memory_space<semaphore_mem>> -> memref<1x!tpu.dma_semaphore, #tpu.memory_space<semaphore_mem>>
      %dma_wait3A_230 = tpu.memref_squeeze %dma_wait3A_229 : memref<1x!tpu.dma_semaphore, #tpu.memory_space<semaphore_mem>> -> memref<!tpu.dma_semaphore, #tpu.memory_space<semaphore_mem>>
      %dma_wait3A_231 = arith.constant 768 : i32
      %dma_wait3A_232 = arith.constant 0 : i32
      %dma_wait3A_233 = tpu.memref_slice %arg2[%arg0, %dma_wait3A_231, %dma_wait3A_232] : memref<16x2048x2048xf32, #tpu.memory_space<any>> -> memref<1x256x2048xf32, #tpu.memory_space<any>>
      %dma_wait3A_234 = tpu.memref_squeeze %dma_wait3A_233 : memref<1x256x2048xf32, #tpu.memory_space<any>> -> memref<256x2048xf32, #tpu.memory_space<any>>
      %dma_wait3A_235 = arith.constant 0 : i32
      %dma_wait3A_236 = arith.constant 1280 : i32
      %dma_wait3A_237 = tpu.memref_slice %arg3[%rem3A_0, %dma_wait3A_235, %dma_wait3A_236] : memref<2x256x4096xf32, #tpu.memory_space<vmem>> -> memref<1x256x2048xf32, #tpu.memory_space<vmem>>
      %dma_wait3A_238 = tpu.memref_squeeze %dma_wait3A_237 : memref<1x256x2048xf32, #tpu.memory_space<vmem>> -> memref<256x2048xf32, #tpu.memory_space<vmem>>
      tpu.wait_dma2 semaphore(%dma_wait3A_230 : memref<!tpu.dma_semaphore, #tpu.memory_space<semaphore_mem>>) src(%dma_wait3A_238 : memref<256x2048xf32, #tpu.memory_space<vmem>>) dst(%dma_wait3A_234 : memref<256x2048xf32, #tpu.memory_space<any>>)
      %dma_wait3A_239 = tpu.memref_slice %arg4[%rem3A_0] : memref<2x!tpu.dma_semaphore, #tpu.memory_space<semaphore_mem>> -> memref<1x!tpu.dma_semaphore, #tpu.memory_space<semaphore_mem>>
      %dma_wait3A_240 = tpu.memref_squeeze %dma_wait3A_239 : memref<1x!tpu.dma_semaphore, #tpu.memory_space<semaphore_mem>> -> memref<!tpu.dma_semaphore, #tpu.memory_space<semaphore_mem>>
      %dma_wait3A_241 = arith.constant 1024 : i32
      %dma_wait3A_242 = arith.constant 0 : i32
      %dma_wait3A_243 = tpu.memref_slice %arg2[%arg0, %dma_wait3A_241, %dma_wait3A_242] : memref<16x2048x2048xf32, #tpu.memory_space<any>> -> memref<1x256x2048xf32, #tpu.memory_space<any>>
      %dma_wait3A_244 = tpu.memref_squeeze %dma_wait3A_243 : memref<1x256x2048xf32, #tpu.memory_space<any>> -> memref<256x2048xf32, #tpu.memory_space<any>>
      %dma_wait3A_245 = arith.constant 0 : i32
      %dma_wait3A_246 = arith.constant 1024 : i32
      %dma_wait3A_247 = tpu.memref_slice %arg3[%rem3A_0, %dma_wait3A_245, %dma_wait3A_246] : memref<2x256x4096xf32, #tpu.memory_space<vmem>> -> memref<1x256x2048xf32, #tpu.memory_space<vmem>>
      %dma_wait3A_248 = tpu.memref_squeeze %dma_wait3A_247 : memref<1x256x2048xf32, #tpu.memory_space<vmem>> -> memref<256x2048xf32, #tpu.memory_space<vmem>>
      tpu.wait_dma2 semaphore(%dma_wait3A_240 : memref<!tpu.dma_semaphore, #tpu.memory_space<semaphore_mem>>) src(%dma_wait3A_248 : memref<256x2048xf32, #tpu.memory_space<vmem>>) dst(%dma_wait3A_244 : memref<256x2048xf32, #tpu.memory_space<any>>)
      %dma_wait3A_249 = tpu.memref_slice %arg4[%rem3A_0] : memref<2x!tpu.dma_semaphore, #tpu.memory_space<semaphore_mem>> -> memref<1x!tpu.dma_semaphore, #tpu.memory_space<semaphore_mem>>
      %dma_wait3A_250 = tpu.memref_squeeze %dma_wait3A_249 : memref<1x!tpu.dma_semaphore, #tpu.memory_space<semaphore_mem>> -> memref<!tpu.dma_semaphore, #tpu.memory_space<semaphore_mem>>
      %dma_wait3A_251 = arith.constant 1280 : i32
      %dma_wait3A_252 = arith.constant 0 : i32
      %dma_wait3A_253 = tpu.memref_slice %arg2[%arg0, %dma_wait3A_251, %dma_wait3A_252] : memref<16x2048x2048xf32, #tpu.memory_space<any>> -> memref<1x256x2048xf32, #tpu.memory_space<any>>
      %dma_wait3A_254 = tpu.memref_squeeze %dma_wait3A_253 : memref<1x256x2048xf32, #tpu.memory_space<any>> -> memref<256x2048xf32, #tpu.memory_space<any>>
      %dma_wait3A_255 = arith.constant 0 : i32
      %dma_wait3A_256 = arith.constant 768 : i32
      %dma_wait3A_257 = tpu.memref_slice %arg3[%rem3A_0, %dma_wait3A_255, %dma_wait3A_256] : memref<2x256x4096xf32, #tpu.memory_space<vmem>> -> memref<1x256x2048xf32, #tpu.memory_space<vmem>>
      %dma_wait3A_258 = tpu.memref_squeeze %dma_wait3A_257 : memref<1x256x2048xf32, #tpu.memory_space<vmem>> -> memref<256x2048xf32, #tpu.memory_space<vmem>>
      tpu.wait_dma2 semaphore(%dma_wait3A_250 : memref<!tpu.dma_semaphore, #tpu.memory_space<semaphore_mem>>) src(%dma_wait3A_258 : memref<256x2048xf32, #tpu.memory_space<vmem>>) dst(%dma_wait3A_254 : memref<256x2048xf32, #tpu.memory_space<any>>)
      %dma_wait3A_259 = tpu.memref_slice %arg4[%rem3A_0] : memref<2x!tpu.dma_semaphore, #tpu.memory_space<semaphore_mem>> -> memref<1x!tpu.dma_semaphore, #tpu.memory_space<semaphore_mem>>
      %dma_wait3A_260 = tpu.memref_squeeze %dma_wait3A_259 : memref<1x!tpu.dma_semaphore, #tpu.memory_space<semaphore_mem>> -> memref<!tpu.dma_semaphore, #tpu.memory_space<semaphore_mem>>
      %dma_wait3A_261 = arith.constant 1536 : i32
      %dma_wait3A_262 = arith.constant 0 : i32
      %dma_wait3A_263 = tpu.memref_slice %arg2[%arg0, %dma_wait3A_261, %dma_wait3A_262] : memref<16x2048x2048xf32, #tpu.memory_space<any>> -> memref<1x256x2048xf32, #tpu.memory_space<any>>
      %dma_wait3A_264 = tpu.memref_squeeze %dma_wait3A_263 : memref<1x256x2048xf32, #tpu.memory_space<any>> -> memref<256x2048xf32, #tpu.memory_space<any>>
      %dma_wait3A_265 = arith.constant 0 : i32
      %dma_wait3A_266 = arith.constant 512 : i32
      %dma_wait3A_267 = tpu.memref_slice %arg3[%rem3A_0, %dma_wait3A_265, %dma_wait3A_266] : memref<2x256x4096xf32, #tpu.memory_space<vmem>> -> memref<1x256x2048xf32, #tpu.memory_space<vmem>>
      %dma_wait3A_268 = tpu.memref_squeeze %dma_wait3A_267 : memref<1x256x2048xf32, #tpu.memory_space<vmem>> -> memref<256x2048xf32, #tpu.memory_space<vmem>>
      tpu.wait_dma2 semaphore(%dma_wait3A_260 : memref<!tpu.dma_semaphore, #tpu.memory_space<semaphore_mem>>) src(%dma_wait3A_268 : memref<256x2048xf32, #tpu.memory_space<vmem>>) dst(%dma_wait3A_264 : memref<256x2048xf32, #tpu.memory_space<any>>)
      %dma_wait3A_269 = tpu.memref_slice %arg4[%rem3A_0] : memref<2x!tpu.dma_semaphore, #tpu.memory_space<semaphore_mem>> -> memref<1x!tpu.dma_semaphore, #tpu.memory_space<semaphore_mem>>
      %dma_wait3A_270 = tpu.memref_squeeze %dma_wait3A_269 : memref<1x!tpu.dma_semaphore, #tpu.memory_space<semaphore_mem>> -> memref<!tpu.dma_semaphore, #tpu.memory_space<semaphore_mem>>
      %dma_wait3A_271 = arith.constant 1792 : i32
      %dma_wait3A_272 = arith.constant 0 : i32
      %dma_wait3A_273 = tpu.memref_slice %arg2[%arg0, %dma_wait3A_271, %dma_wait3A_272] : memref<16x2048x2048xf32, #tpu.memory_space<any>> -> memref<1x256x2048xf32, #tpu.memory_space<any>>
      %dma_wait3A_274 = tpu.memref_squeeze %dma_wait3A_273 : memref<1x256x2048xf32, #tpu.memory_space<any>> -> memref<256x2048xf32, #tpu.memory_space<any>>
      %dma_wait3A_275 = arith.constant 0 : i32
      %dma_wait3A_276 = arith.constant 256 : i32
      %dma_wait3A_277 = tpu.memref_slice %arg3[%rem3A_0, %dma_wait3A_275, %dma_wait3A_276] : memref<2x256x4096xf32, #tpu.memory_space<vmem>> -> memref<1x256x2048xf32, #tpu.memory_space<vmem>>
      %dma_wait3A_278 = tpu.memref_squeeze %dma_wait3A_277 : memref<1x256x2048xf32, #tpu.memory_space<vmem>> -> memref<256x2048xf32, #tpu.memory_space<vmem>>
      tpu.wait_dma2 semaphore(%dma_wait3A_270 : memref<!tpu.dma_semaphore, #tpu.memory_space<semaphore_mem>>) src(%dma_wait3A_278 : memref<256x2048xf32, #tpu.memory_space<vmem>>) dst(%dma_wait3A_274 : memref<256x2048xf32, #tpu.memory_space<any>>)
    } else {
    }
    return
  }
  func.func @transform_0(%arg0: i32) -> (i32, i32, i32) {
    %c0_i32 = arith.constant 0 : i32
    %c0_i32_0 = arith.constant 0 : i32
    %c0_i32_1 = arith.constant 0 : i32
    return %arg0, %c0_i32, %c0_i32_0 : i32, i32, i32
  }
}

</mosaic_0001>

<sc_bundles>
// kernel: _relative_pos_bias.4.cloned.1.call-start
scs
__scs_entry_jumppad:
0x0: {  	(pc) =	sbr.rel $0x88, $3  }
0x1: {  	(tag) =	ssettag $0x0;
	lr =	simm.s32 $0x1  }
0x2: {  	[smem:$0x3FA0] =	sst lr;
	_ =	strace $0xD0000000  }
0x3: {  	_ = 	snop  }
0x4: {  	_ = 	snop  }
0x5: {  	_ = 	snop  }
0x6: {  	_ = 	snop  }
0x7: {  	_ = 	snop  }
__scs_overlays_trampoline_lowered:
0x8: {  	[smem:$0x3FAF] =	sst s0  }
0x9: {  	[smem:$0x3FB0] =	sst s1  }
0xa: {  	[smem:$0x3FB1] =	sst s2  }
0xb: {  	[smem:$0x3FB2] =	sst s3  }
0xc: {  	[smem:$0x3FB3] =	sst s4  }
0xd: {  	[smem:$0x3FB4] =	sst s5  }
0xe: {  	[smem:$0x3FB5] =	sst s6  }
0xf: {  	[smem:$0x3FB6] =	sst s7  }
0x10: {  	[smem:$0x3FB7] =	sst s8  }
0x11: {  	[smem:$0x3FB8] =	sst s9;
	s0 =	simm.s32 @!p0 $0x0  }
0x12: {  	s1 =	sld [smem:$0x3F9E];
	s0 =	simm.s32 @p0 $0x1  }
0x13: {  	[smem:$0x3FB9] =	sst s0;
	s0 =	simm.s32 @!p1 $0x0  }
0x14: {  	s2 =	sld [smem:$0x3F9D];
	s0 =	simm.s32 @p1 $0x1  }
0x15: {  	[smem:$0x3FBA] =	sst s0;
	s0 =	simm.s32 @!p2 $0x0  }
0x16: {  	s3 =	sld [smem:$0x3FDB];
	s0 =	simm.s32 @p2 $0x1  }
0x17: {  	s4 =	simm.s32 $0x1BF5;
	[smem:$0x3FBC] =	sst s0  }
0x18: {  	s0 =	sld [smem:$0x3F9F];
	_ =	swait.ge [sflag:s4], $0x0  }
0x19: {  	s7 =	sld [smem:$0x3FA0]  }
0x1a: {  	s8 =	sadd.s32 $0xFFFFE003, lr  }
0x1b: {  	s9 =	sadd.s32 $0xFFFFFEF7, lr;
	s5 =	simm.s32 $0xFFFFFFFF;
	p2 =	slt.u32 s8, $0xFFFFF086  }
0x1c: {  	p1 =	slt.u32 s9, $0xF7A;
	s5 =	simm.s32 @!p2 $0x0  }
0x1d: {  	s5 =	simm.s32 @p1 $0x1;
	p0 =	seq.s32 s7, s2  }
0x1e: {  	s7 =	smul.u32 @!p0 $0xF7A, s2;
	p2 =	seq.s32 @!p0 s5, $0x0  }
0x1f: {  	s9 =	smul.u32 $0xF7A, s1;
	s8 =	simm.s32 @!p0 $0x1BF5;
	p2 =	por !p2, p0  }
0x20: {  	[sflag:s8] =	ssyncset.s32 @!p0 $0xFFFFF086;
	s6 =	sadd.s32 @!p0 s3, s7;
	s7 =	simm.s32 @!p0 $0x108  }
0x21: {  	s3 =	sadd.s32 s3, s9;
	s6 =	sadd.s32 @!p0 $0x88, s6;
	s7 =	simm.s32 @p2 $0x1082  }
0x22: {  	[simem:s7], [sflag:s8] =	dma.local @!p0 [hbm:s6], $0xF7A  }
0x23: {  	s9 =	sor.u32 $0xD0000000, s2;
	s6 =	simm.s32 $0x108;
	_ =	swait.ge @!p0 [sflag:s8], $0x0  }
0x24: {  	s3 =	sadd.s32 $0x88, s3;
	s6 =	simm.s32 @!p1 $0x1082;
	[sflag:s4] =	ssyncset.s32 $0xFFFFF086  }
0x25: {  	[simem:s6], [sflag:s4] =	dma.local [hbm:s3], $0xF7A  }
0x26: {  	[smem:$0x3FA0] =	sst s1;
	(tag) =	ssettag s2;
	_ =	strace s9  }
0x27: {  	s1 =	sld [smem:$0x3FB0]  }
0x28: {  	s2 =	sld [smem:$0x3FB1]  }
0x29: {  	s4 =	sld [smem:$0x3FB3]  }
0x2a: {  	p0 =	seq.s32 s5, $0x0;
	s5 =	sld [smem:$0x3FB4]  }
0x2b: {  	s6 =	sld [smem:$0x3FB5]  }
0x2c: {  	s7 =	sld [smem:$0x3FB6]  }
0x2d: {  	s3 =	simm.s32 $0x108;
	s8 =	sld [smem:$0x3FB7]  }
0x2e: {  	s3 =	simm.s32 @!p0 $0x1082;
	s9 =	sld [smem:$0x3FB8]  }
0x2f: {  	lr =	sadd.s32 s0, s3;
	s0 =	sld [smem:$0x3FAF]  }
0x30: {  	s3 =	sld [smem:$0x3FB2]  }
0x31: {  	[smem:$0x3FBB] =	sst s10  }
0x32: {  	s10 =	sld [smem:$0x3FB9];
	_ =	sdelay $0x3  }
0x33: {  	p0 =	seq.s32 s10, $0x1;
	s10 =	sld [smem:$0x3FBB];
	_ =	sdelay $0x3  }
0x34: {  	[smem:$0x3FBB] =	sst s10  }
0x35: {  	s10 =	sld [smem:$0x3FBA];
	_ =	sdelay $0x3  }
0x36: {  	p1 =	seq.s32 s10, $0x1;
	s10 =	sld [smem:$0x3FBB];
	_ =	sdelay $0x3  }
0x37: {  	[smem:$0x3FBB] =	sst s10  }
0x38: {  	s10 =	sld [smem:$0x3FBC]  }
0x39: {  	_ = 	snop;
	(pc) =	sbr.ind lr, $3  }
0x3a: {  	_ = 	snop  }
0x3b: {  	_ = 	snop  }
0x3c: {  	p2 =	seq.s32 s10, $0x1;
	s10 =	sld [smem:$0x3FBB]  }
0x3d: {  	_ =	shalt  }
0x3e: {  	_ =	shalt  }
0x3f: {  	_ =	shalt  }
0x40: {  	_ =	shalt  }
0x41: {  	_ =	shalt  }
0x42: {  	_ =	shalt  }
0x43: {  	_ =	shalt  }
0x44: {  	_ =	shalt  }
0x45: {  	_ =	shalt  }
0x46: {  	_ =	shalt  }
0x47: {  	_ =	shalt  }
0x48: {  	_ =	shalt  }
0x49: {  	_ =	shalt  }
0x4a: {  	_ =	shalt  }
0x4b: {  	_ =	shalt  }
0x4c: {  	_ =	shalt  }
0x4d: {  	_ =	shalt  }
0x4e: {  	_ =	shalt  }
0x4f: {  	_ =	shalt  }
0x50: {  	_ =	shalt  }
0x51: {  	_ =	shalt  }
0x52: {  	_ =	shalt  }
0x53: {  	_ =	shalt  }
0x54: {  	_ =	shalt  }
0x55: {  	_ =	shalt  }
0x56: {  	_ =	shalt  }
0x57: {  	_ =	shalt  }
0x58: {  	_ =	shalt  }
0x59: {  	_ =	shalt  }
0x5a: {  	_ =	shalt  }
0x5b: {  	_ =	shalt  }
0x5c: {  	_ =	shalt  }
0x5d: {  	_ =	shalt  }
0x5e: {  	_ =	shalt  }
0x5f: {  	_ =	shalt  }
0x60: {  	_ =	shalt  }
0x61: {  	_ =	shalt  }
0x62: {  	_ =	shalt  }
0x63: {  	_ =	shalt  }
0x64: {  	_ =	shalt  }
0x65: {  	_ =	shalt  }
0x66: {  	_ =	shalt  }
0x67: {  	_ =	shalt  }
0x68: {  	_ =	shalt  }
0x69: {  	_ =	shalt  }
0x6a: {  	_ =	shalt  }
0x6b: {  	_ =	shalt  }
0x6c: {  	_ =	shalt  }
0x6d: {  	_ =	shalt  }
0x6e: {  	_ =	shalt  }
0x6f: {  	_ =	shalt  }
0x70: {  	_ =	shalt  }
0x71: {  	_ =	shalt  }
0x72: {  	_ =	shalt  }
0x73: {  	_ =	shalt  }
0x74: {  	_ =	shalt  }
0x75: {  	_ =	shalt  }
0x76: {  	_ =	shalt  }
0x77: {  	_ =	shalt  }
0x78: {  	_ =	shalt  }
0x79: {  	_ =	shalt  }
0x7a: {  	_ =	shalt  }
0x7b: {  	_ =	shalt  }
0x7c: {  	_ =	shalt  }
0x7d: {  	_ =	shalt  }
0x7e: {  	_ =	shalt  }
0x7f: {  	_ =	shalt  }
0x80: {  	_ =	shalt  }
0x81: {  	_ =	shalt  }
0x82: {  	_ =	shalt  }
0x83: {  	_ =	shalt  }
0x84: {  	_ =	shalt  }
0x85: {  	_ =	shalt  }
0x86: {  	_ =	shalt  }
0x87: {  	_ =	shalt  }
.Lfunc_end0:
.L_simem_size_0:
called_computation_lowered:
.L_overlay_start_0:
0x88: {  	s2 =	sld [smem:$0x3FD9]  }
0x89: {  	s3 =	sld [smem:$0x3FFE];
	_ =	sdelay $0x1  }
0x8a: {  	s1 =	srdreg.scid  }
0x8b: {  	s0 =	sand.u32 $0x1, s1  }
0x8c: {  	s17 =	sshll.u32 s0, $0xA;
	s2 =	sadd.s32 s3, s2  }
0x8d: {  	s2 =	sadd.s32 s2, s17  }
0x8e: {  	[smem:$0x3FC7] =	sst s2  }
0x8f: {  	_ = 	snop  }
0x90: {  	s2 =	sld [smem:$0x3FD0];
	(tm) =	ssettm $0x1  }
0x91: {  	s18 =	sld [smem:$0x3FFB];
	_ =	sdelay $0x3  }
0x92: {  	_ =	strace s18  }
0x93: {  	s3 =	sld [smem:$0x3FFC];
	_ =	sdelay $0x3  }
0x94: {  	_ =	strace s3  }
0x95: {  	s3 =	sld [smem:$0x3FFD];
	_ =	sdelay $0x3  }
0x96: {  	_ =	strace s3  }
0x97: {  	_ =	strace $0x8FFFFFFF  }
0x98: {  	s19 =	sld [smem:$0x3FDB];
	_ =	sdelay $0x1  }
0x99: {  	s4 =	simm.s32 $_scs_section_size  }
0x9a: {  	s5 =	simm.s32 $_size__tile_overlayer_lowered;
	s6 =	simm.s32 $_tile_overlayer_lowered  }
0x9b: {  	s22 =	simm.s32 $0x1BFF;
	s21 =	sshll.u32 s6, $0x1;
	s3 =	sadd.s32 s4, s19  }
0x9c: {  	s7 =	simm.s32 $0x0;
	s20 =	sshll.u32 s5, $0x1;
	s5 =	sadd.s32 s21, s3  }
0x9d: {  	[timem:s7], [sflag:s22] =	dma.local [hbm:s5], s20  }
0x9e: {  	_ =	swait.ge [sflag:s22], s20  }
0x9f: {  	s4 =	ssub.s32 $0x0, s20;
	[sflag:s22] =	ssyncset.done $0x0  }
0xa0: {  	[sflag:s22] =	ssyncadd.s32 s4;
	_ =	sdelay $0x1  }
0xa1: {  	s23 =	simm.s32 $0x1B8B  }
0xa2: {  	_ =	swait.ge [sflag:s23], $0x1  }
0xa3: {  	[sflag:s23] =	ssyncset.done $0x0  }
0xa4: {  	s25 =	simm.s32 $0x1B8E;
	s24 =	sld [smem:$0x3FFE];
	[sflag:s23] =	ssyncadd.s32 $0xFFFFFFFF  }
0xa5: {  	s26 =	simm.s32 $execute0_lowered;
	[smem:$0x3FD2] =	sst s25  }
0xa6: {  	s5 =	sshll.u32 s26, $0x1;
	_ =	strace $0x80000046;
	[dreg:$0x1] =	wrdreg $0xFFFFFFFF  }
0xa7: {  	s28 =	simm.s32 $_size_execute0_lowered;
	s3 =	sadd.s32 s3, s5;
	[dreg:$0x0] =	wrdreg $0x0  }
0xa8: {  	s5 =	sshll.u32 s28, $0x1;
	[dreg:$0x2] =	wrdreg s3  }
0xa9: {  	[dreg:$0x3] =	wrdreg s5  }
0xaa: {  	[dreg:$0x4] =	wrdreg $0xC0  }
0xab: {  	_ =	task [dreg:s7], $0x5FFFF  }
0xac: {  	[dreg:$0x1] =	wrdreg $0xFFFFFFFF  }
0xad: {  	[dreg:$0x0] =	wrdreg $0x60  }
0xae: {  	[dreg:$0x2] =	wrdreg s24  }
0xaf: {  	[dreg:$0x3] =	wrdreg s2  }
0xb0: {  	[dreg:$0x4] =	wrdreg $0x9  }
0xb1: {  	_ =	task.clear_ibuf [dreg:s7], $0x5FFFF;
	_ =	strace $0x90000046  }
0xb2: {  	s29 =	simm.s32 $0x9;
	_ =	strace $0x80000048  }
0xb3: {  	_ =	swait.ge [sflag:s29], $0x1  }
0xb4: {  	[sflag:s29] =	ssyncadd.s32 $0xFFFFFFFF  }
0xb5: {  	_ =	strace $0x90000048  }
0xb6: {  	_ =	sfence  }
0xb7: {  	s30 =	sld [smem:$0x0];
	_ =	sdelay $0x2  }
0xb8: {  	s31 =	sshll.u32 s1, $0xD;
	s1 =	sshrl.u32 s1, $0x2  }
0xb9: {  	s3 =	sand.u32 $0x4000, s31;
	s1 =	sadd.s32 s1, s30  }
0xba: {  	s0 =	sor.u32 s3, s0;
	s1 =	sshll.u32 s1, $0x11  }
0xbb: {  	s0 =	sor.u32 s1, s0  }
0xbc: {  	s0 =	sadd.s32 $0x8F2B, s0  }
0xbd: {  	[sflag:s0] =	ssyncadd.remote.s32 $0x1  }
0xbe: {  	_ =	sfence.sel $0xFFFF  }
0xbf: {  	[dreg:$0x0] =	wrdreg $0xFFFFFFFF;
	(pc) =	sbr.abs _section_cstart, $3  }
0xc0: {  	[dreg:$0x1] =	wrdreg $0xFFFFFFFF  }
0xc1: {  	_ =	task.clear_ibuf [dreg:s7], $0x2FFFF;
	_ =	strace $0x9FFFFFFF  }
0xc2: {  	(tm) =	ssettm $0x7FFFFFFF  }
0xc3: {  	_ =	shalt  }
tec
execute0_lowered:
.L_overlay_start_1:
0x0: {  	(tag) =	ssettag $0x1  }
0x1: {  	s4 =	rddreg [dreg:$0x0]  }
0x2: {  	s5 =	rddreg [dreg:$0x1]  }
0x3: {  	s0 =	rddreg [dreg:$0x2];
	s3 =	srdreg.scid  }
0x4: {  	s2 =	simm.s32 $0x0;
	s1 =	stileid.u32;
	s9 =	simm.s32 $0x0  }
0x5: {  	s3 =	sand.u32 $0x1, s3;
	s7 =	sshll.u32 s1, $0xC;
	[smem:$0x7FF] =	sst s2  }
0x6: {  	s4 =	sadd.s32 $0x600, s4;
	s6 =	ssub.s32 $0x2, s3;
	s3 =	sshll.u32 s3, $0xB  }
0x7: {  	_ =	strace $0x80000047;
	s8 =	sshrl.u32 s6, $0x1;
	s7 =	sor.u32 s3, s7  }
0x8: {  	v1 =	vlaneseq.u32;
	s6 =	ssub.s32 s6, s8;
	s7 =	sshrl.u32 s7, $0x3;
	s8 =	simm.s32 $0x1000  }
0x9: {  	v0 =	vmov s1;
	v1 =	vadd.s32 $0xFFFFF87F, v1;
	s5 =	sadd.s32 s5, s7;
	s6 =	smax.u32 s6, $0x1;
	s7 =	simm.s32 $0x1  }
.LBB2_1:
0xa: {  	v2 =	vadd.s32 s3, v1  }
0xb: {  	vm0 =	vgt.s32 v2, $0x0  }
0xc: {  	v2 =	vnsel vm0, $0x0, v2  }
0xd: {  	v2 =	vmin.u32 v2, $0xFE  }
0xe: {  	v2 =	vshll.u32 v2, $0x4  }
0xf: {  	s10 =	sadd.s32 $0x10, s3;
	v2 =	vor.u32 v0, v2  }
0x10: {  	[tilespmem:s2], [sflag:$0x1] =	stream.linear.gather [hbm4b:s4+s2], $0x1000, $0x38;
	v3 =	vadd.s32 s10, v1;
	[tilespmem:$0x1800] =	vst v63  }
0x11: {  	_ =	swait.ge [sflag:s7], $0x1000;
	vm15 =	vgt.s32 v3, $0x0  }
0x12: {  	[sflag:s7] =	ssyncset.done $0x0;
	v3 =	vnsel vm15, $0x0, v3  }
0x13: {  	[sflag:s7] =	ssyncadd.s32 $0xFFFFF000;
	v3 =	vmin.u32 v3, $0xFE  }
0x14: {  	v4 =	vshll.u32 v3, $0x4;
	v3 =	vld.idx.msk [tilespmem:v2+s2+$0x0], $0xffff  }
0x15: {  	v2 =	vor.u32 v0, v4  }
0x16: {  	s11 =	simm.s32 $0x40;
	s12 =	sadd.s32 $0x10, s10  }
0x17: {  	s14 =	simm.s32 $0xC0;
	s13 =	simm.s32 $0x0;
	s10 =	simm.s32 $0x80;
	v4 =	vadd.s32 s12, v1  }
.LBB2_2:
0x18: {  	p0 =	sne.s32 s14, $0x1FC0;
	vm0 =	vgt.s32 v4, $0x0;
	s15 =	sshra.s32 s13, $0x2;
	s13 =	smov.u32 s11  }
0x19: {  	s11 =	smov.u32 s10;
	s10 =	smov.u32 s14;
	v4 =	vnsel vm0, $0x0, v4;
	[tilespmem:s15+$0x1000] =	vst v3  }
.Ltmp0:
0x1a: {  	v4 =	vmin.u32 v4, $0xFE;
	v3 =	vld.idx.msk [tilespmem:v2+s2+$0x0], $0xffff;
	(pc) =	sbr.rel @p0 .LBB2_2-.Ltmp0, $4  }
0x1b: {  	v2 =	vshll.u32 v4, $0x4  }
0x1c: {  	v2 =	vor.u32 v0, v2  }
0x1d: {  	s12 =	sadd.s32 $0x10, s12  }
0x1e: {  	s14 =	sadd.s32 $0x40, s14;
	v4 =	vadd.s32 s12, v1  }
0x1f: {  	_ = 	snop  }
0x20: {  	vm0 =	vgt.s32 v4, $0x0  }
0x21: {  	s12 =	sshra.s32 s13, $0x2;
	v4 =	vnsel vm0, $0x0, v4  }
0x22: {  	[tilespmem:s12+$0x1000] =	vst v3;
	v3 =	vmin.u32 v4, $0xFE  }
0x23: {  	v2 =	vld.idx.msk [tilespmem:v2+s2+$0x0], $0xffff;
	v3 =	vshll.u32 v3, $0x4  }
0x24: {  	v3 =	vor.u32 v0, v3;
	_ =	sdelay $0x2  }
0x25: {  	s11 =	sshra.s32 s11, $0x2  }
0x26: {  	[tilespmem:s11+$0x1000] =	vst v2  }
0x27: {  	v2 =	vld.idx.msk [tilespmem:v3+s2+$0x0], $0xffff;
	_ =	sdelay $0x2  }
0x28: {  	s9 =	sadd.s32 $0x1, s9  }
0x29: {  	s10 =	sshra.s32 s10, $0x2;
	p0 =	sne.s32 s9, s6  }
.Ltmp1:
0x2a: {  	[tilespmem:s10+$0x1000] =	vst v2;
	(pc) =	sbr.rel @p0 .LBB2_1-.Ltmp1, $4  }
0x2b: {  	[hbm4b:s5+s2] =	stream.linear.scatter [tilespmem:s8], [sflag:$0x1], $0x800, $0x38;
	[tilespmem:$0x1800] =	vst v63  }
0x2c: {  	_ =	swait.ge [sflag:s7], $0x800  }
0x2d: {  	[sflag:s7] =	ssyncset.done $0x0  }
0x2e: {  	[sflag:s7] =	ssyncadd.s32 $0xFFFFF800  }
0x2f: {  	_ =	sfence.sel $0x180000  }
0x30: {  	[bflag:$0x0] =	sbarrier.arrive $0xFFFF  }
0x31: {  	p0 =	sne.s32 s1, $0x0;
	_ =	strace $0x90000047  }
0x32: {  	s0 =	sadd.s32 @!p0 $0x100000, s0;
	[bflag:$0x2] =	sbarrier.arrive $0xFFFF  }
0x33: {  	[sflag:s0] =	ssyncadd.tile.s32 @!p0 $0x1;
	_ =	shalt  }
.Lfunc_end2:
_tile_overlayer_lowered:
.L_overlay_start_2:
0x34: {  	(tag) =	ssettag $0x2  }
0x35: {  	s0 =	rddreg [dreg:$0x0];
	s2 =	stileid.u32  }
0x36: {  	s1 =	rddreg [dreg:$0x1];
	p0 =	sne.s32 s2, $0x0  }
0x37: {  	s3 =	rddreg [dreg:$0x2];
	[bflag:$0x3] =	sbarrier.arrive $0xFFFF;
	s2 =	simm.s32 @!p0 $0x1C01  }
0x38: {  	[timem:s3], [sflag:s2] =	dma.local @!p0 [hbm:s0], s1  }
0x39: {  	s0 =	simm.s32 @!p0 $0x1  }
0x3a: {  	_ =	swait.ge @!p0 [sflag:s0], s1  }
0x3b: {  	s1 =	ssub.s32 @!p0 $0x0, s1;
	[sflag:s0] =	ssyncset.done @!p0 $0x0  }
0x3c: {  	[sflag:s0] =	ssyncadd.s32 @!p0 s1  }
0x3d: {  	[bflag:$0x3] =	sbarrier.arrive $0xFFFF  }
0x3e: {  	_ =	shalt  }

</sc_bundles>
